<compile_context>
chip_gen: v7x
topology: tpu7x:2x2x1
jax: 0.10.2.dev20260603
libtpu: 0.0.44.dev20260713+nightly
codegen_flags: <defaults>
</compile_context>

<pallas_src>
import functools

import jax
import jax.numpy as jnp
from jax import lax
from jax.experimental import pallas as pl
from jax.experimental.pallas import tpu as pltpu
from jax.experimental.pallas import tpu_sc as plsc

_M = 1_000_000
_B = 16384
_D = 64
_NS = 16
_L = 16
_CH = 128
_RPT = _B // _CH // _NS
_ROUNDS = 4



def _score_body(valt_ref, w1_ref, b1_ref, w2_ref, out_ref):
    zt = lax.dot_general(w1_ref[...], valt_ref[...],
                         dimension_numbers=(((0,), (0,)), ((), ())),
                         preferred_element_type=jnp.float32)
    zt = jnp.maximum(zt + b1_ref[...][:, None], 0.0)
    out_ref[...] = jnp.sum(zt * w2_ref[...][:, None], axis=0)


def _scores_tc(val, W1, b1, w2):
    return pl.pallas_call(
        _score_body,
        out_shape=jax.ShapeDtypeStruct((_B,), jnp.float32),
    )(val.T, W1, b1, w2)



_mesh = plsc.VectorSubcoreMesh(core_axis_name="c", subcore_axis_name="s",
                               num_cores=1, num_subcores=_NS)


@functools.partial(
    pl.kernel,
    out_type=jax.ShapeDtypeStruct((_B // _CH, _CH), jnp.float32),
    mesh=_mesh,
    scratch_types=[
        pltpu.VMEM((_RPT, _CH), jnp.int32),
        pltpu.VMEM((_RPT, _CH), jnp.int32),
        pltpu.VMEM((_RPT, _CH), jnp.int32),
        pltpu.VMEM((_RPT, _CH), jnp.int32),
        pltpu.VMEM((_RPT, _CH), jnp.float32),
        pltpu.VMEM_SHARED((_M + _B,), jnp.int32),
        pltpu.VMEM_SHARED((_B,), jnp.float32),
        pltpu.SemaphoreType.DMA,
        pltpu.SemaphoreType.DMA,
    ],
)
def _winner_gather(idx_hbm, s_hbm, out_hbm,
                   idx_v, pos_v, idx2_v, m_v, o_v, tab_sp, s_sp, sem, semd):
    sid = lax.axis_index("s")
    row0 = sid * _RPT

    def _gather_tab():
        @pl.loop(0, _RPT)
        def _g(k):
            pltpu.async_copy(tab_sp.at[idx_v.at[k]], m_v.at[k], semd)

        @pl.loop(0, _RPT)
        def _gw(k):
            pltpu.make_async_copy(tab_sp.at[idx_v.at[k]], m_v.at[k],
                                  semd).wait()

    def _scatter_pos(ix_v):
        @pl.loop(0, _RPT)
        def _s(k):
            pltpu.async_copy(pos_v.at[k], tab_sp.at[ix_v.at[k]], semd)

        @pl.loop(0, _RPT)
        def _sw(k):
            pltpu.make_async_copy(pos_v.at[k], tab_sp.at[ix_v.at[k]],
                                  semd).wait()

    @pl.when(sid == 0)
    def _stage_s():
        pltpu.async_copy(s_hbm, s_sp, sem)

    pltpu.sync_copy(idx_hbm.at[pl.ds(row0, _RPT)], idx_v)

    @pl.loop(0, _RPT)
    def _pos_k(k):
        @pl.loop(0, _CH // _L)
        def _pos_t(t):
            pos_v[k, pl.ds(t * _L, _L)] = ((row0 + k) * _CH + t * _L
                                           + lax.iota(jnp.int32, _L))

    _scatter_pos(idx_v)
    plsc.subcore_barrier()

    @pl.loop(0, _ROUNDS)
    def _round(_r):
        _gather_tab()

        @pl.loop(0, _RPT)
        def _ck(k):
            @pl.loop(0, _CH // _L)
            def _ct(t):
                sl = pl.ds(t * _L, _L)
                gt = pos_v[k, sl] > m_v[k, sl]
                idx2_v[k, sl] = jnp.where(gt, idx_v[k, sl],
                                          _M + pos_v[k, sl])

        _scatter_pos(idx2_v)
        plsc.subcore_barrier()

    @pl.when(sid == 0)
    def _wait_s():
        pltpu.make_async_copy(s_hbm, s_sp, sem).wait()
    plsc.subcore_barrier()

    _gather_tab()

    @pl.loop(0, _RPT)
    def _o(k):
        pltpu.async_copy(s_sp.at[m_v.at[k]], o_v.at[k], semd)

    @pl.loop(0, _RPT)
    def _ow(k):
        pltpu.make_async_copy(s_sp.at[m_v.at[k]], o_v.at[k], semd).wait()

    pltpu.sync_copy(o_v, out_hbm.at[pl.ds(row0, _RPT)])



def kernel(mem, idx, val, W1, b1, w2):
    del mem
    s = _scores_tc(val, W1, b1, w2).reshape(_B)
    idx2d = idx.astype(jnp.int32).reshape(_B // _CH, _CH)
    out2d = _winner_gather(idx2d, s)
    return out2d.reshape(_B)

# --- scband reference (transcript-rebuilt; emitter-appended) ---
"""Pipeline reference for scband-nlb-9809705304994 (READ-ONLY COPY).

The authoritative reference and input builder live on the scoring server;
editing this copy changes nothing except your own understanding.
"""

import jax, jax.numpy as jnp
import numpy as np

M = 1000000
D = 64
B = 16384

def setup_inputs(seed: int = 0) -> dict:
    key = jax.random.key(seed)
    k1, k2, k3, k4, k5 = jax.random.split(key, 5)
    mem = jax.random.normal(k1, (M, D), dtype=jnp.float32)
    idx = jax.random.randint(k2, (B,), 0, M, dtype=jnp.int64) if jax.config.read('jax_enable_x64') else jax.random.randint(k2, (B,), 0, M, dtype=jnp.int32)
    val = jax.random.normal(k3, (B, D), dtype=jnp.float32)
    W1 = jax.random.normal(k4, (D, D), dtype=jnp.float32) * 0.05
    b1 = jnp.zeros((D,), dtype=jnp.float32)
    w2 = jax.random.normal(k5, (D,), dtype=jnp.float32) * 0.05
    return {"mem": mem, "idx": idx, "val": val, "W1": W1, "b1": b1, "w2": w2}

def reference(mem, idx, val, W1, b1, w2):
    # NLB neighborhood-store update: scatter-overwrite cached neighbor reps into memory
    new_mem = mem.at[idx].set(val)
    # read back updated entries (gather) and score edges (EdgePredictor-style readout)
    h = jnp.take(new_mem, idx, axis=0)
    z = jax.nn.relu(h @ W1 + b1)
    scores = z @ w2
    return scores

if __name__ == "__main__":
    import jax
    _d = setup_inputs()
    print(jax.jit(kernel)(*tuple(_d.values())))

</pallas_src>

<mosaic_0001>
#map = affine_map<(d0, d1) -> (0, 0)>
#map1 = affine_map<(d0, d1) -> (0)>
module attributes {stable_mosaic.version = 14 : i64} {
  func.func @_winner_gather(%arg0: i32, %arg1: i32, %arg2: memref<128x128xi32, #tpu.memory_space<hbm>>, %arg3: memref<16384xf32, #tpu.memory_space<hbm>>, %arg4: memref<128x128xf32, #tpu.memory_space<hbm>>, %arg5: memref<8x128xi32, #tpu.memory_space<vmem>>, %arg6: memref<8x128xi32, #tpu.memory_space<vmem>>, %arg7: memref<8x128xi32, #tpu.memory_space<vmem>>, %arg8: memref<8x128xi32, #tpu.memory_space<vmem>>, %arg9: memref<8x128xf32, #tpu.memory_space<vmem>>, %arg10: memref<1016384xi32, #tpu.memory_space<vmem_shared>>, %arg11: memref<16384xf32, #tpu.memory_space<vmem_shared>>, %arg12: memref<!tpu.dma_semaphore, #tpu.memory_space<semaphore_mem>>, %arg13: memref<!tpu.dma_semaphore, #tpu.memory_space<semaphore_mem>>) attributes {dimension_semantics = [#tpu.dimension_semantics<core_parallel>, #tpu.dimension_semantics<subcore_parallel>], iteration_bounds = array<i64: 1, 16>, scalar_prefetch = 0 : i64, scratch_operands = 9 : i64, tpu.core_type = #tpu.core_type<sc_vector_subcore>, window_params = [{transform_indices = #map}, {transform_indices = #map1}, {transform_indices = #map}]} {
    %mul3A = arith.constant 8 : i32
    %mul3A_0 = arith.muli %arg1, %mul3A : i32
    %eq3A = arith.constant 0 : i32
    %eq3A_1 = arith.cmpi eq, %arg1, %eq3A : i32
    %convert_element_type3A = arith.extui %eq3A_1 : i1 to i32
    %cond3A = arith.constant 0 : i32
    %cond3A_2 = arith.cmpi ne, %convert_element_type3A, %cond3A : i32
    scf.if %cond3A_2 {
      tpu.enqueue_dma source(%arg3 : memref<16384xf32, #tpu.memory_space<hbm>>) target(%arg11 : memref<16384xf32, #tpu.memory_space<vmem_shared>>) target_semaphore(%arg12 : memref<!tpu.dma_semaphore, #tpu.memory_space<semaphore_mem>>)
    } else {
    }
    "tpu.region"() ({
      %run_scoped3A = tpu.sem_alloc : memref<!tpu.dma_semaphore, #tpu.memory_space<semaphore_mem>>
      %dma_start3A = arith.constant 0 : i32
      %dma_start3A_48 = tpu.memref_slice %arg2[%mul3A_0, %dma_start3A] : memref<128x128xi32, #tpu.memory_space<hbm>> -> memref<8x128xi32, #tpu.memory_space<hbm>>
      %dma_start3A_49 = arith.constant 0 : i32
      %dma_start3A_50 = tpu.memref_slice %arg2[%mul3A_0, %dma_start3A_49] : memref<128x128xi32, #tpu.memory_space<hbm>> -> memref<8x128xi32, #tpu.memory_space<hbm>>
      tpu.enqueue_dma source(%dma_start3A_50 : memref<8x128xi32, #tpu.memory_space<hbm>>) target(%arg5 : memref<8x128xi32, #tpu.memory_space<vmem>>) target_semaphore(%run_scoped3A : memref<!tpu.dma_semaphore, #tpu.memory_space<semaphore_mem>>)
      %dma_wait3A = arith.constant 0 : i32
      %dma_wait3A_51 = tpu.memref_slice %arg2[%mul3A_0, %dma_wait3A] : memref<128x128xi32, #tpu.memory_space<hbm>> -> memref<8x128xi32, #tpu.memory_space<hbm>>
      %dma_wait3A_52 = arith.constant 0 : i32
      %dma_wait3A_53 = tpu.memref_slice %arg2[%mul3A_0, %dma_wait3A_52] : memref<128x128xi32, #tpu.memory_space<hbm>> -> memref<8x128xi32, #tpu.memory_space<hbm>>
      tpu.wait_dma2 semaphore(%run_scoped3A : memref<!tpu.dma_semaphore, #tpu.memory_space<semaphore_mem>>) src(%dma_wait3A_53 : memref<8x128xi32, #tpu.memory_space<hbm>>) dst(%arg5 : memref<8x128xi32, #tpu.memory_space<vmem>>)
      tpu.yield
    }) : () -> ()
    %scan3A = arith.constant 0 : i32
    %scan3A_3 = arith.constant 8 : i32
    %scan3A_4 = arith.addi %scan3A, %scan3A_3 : i32
    %scan3A_5 = arith.constant 1 : i32
    scf.for %scan3A_48 = %scan3A to %scan3A_4 step %scan3A_5  : i32 {
      %mul3A_49 = arith.constant 1 : i32
      %mul3A_50 = arith.muli %scan3A_48, %mul3A_49 : i32
      %add3A = arith.constant 0 : i32
      %add3A_51 = arith.addi %add3A, %mul3A_50 : i32
      %scan3A_52 = arith.constant 0 : i32
      %scan3A_53 = arith.constant 8 : i32
      %scan3A_54 = arith.addi %scan3A_52, %scan3A_53 : i32
      %scan3A_55 = arith.constant 1 : i32
      scf.for %scan3A_57 = %scan3A_52 to %scan3A_54 step %scan3A_55  : i32 {
        %mul3A_58 = arith.constant 1 : i32
        %mul3A_59 = arith.muli %scan3A_57, %mul3A_58 : i32
        %add3A_60 = arith.constant 0 : i32
        %add3A_61 = arith.addi %add3A_60, %mul3A_59 : i32
        %add3A_62 = arith.addi %mul3A_0, %add3A_51 : i32
        %mul3A_63 = arith.constant 128 : i32
        %mul3A_64 = arith.muli %add3A_62, %mul3A_63 : i32
        %mul3A_65 = arith.constant 16 : i32
        %mul3A_66 = arith.muli %add3A_61, %mul3A_65 : i32
        %add3A_67 = arith.addi %mul3A_64, %mul3A_66 : i32
        %iota3A = tpu.iota {dimensions = array<i32: 0>} : vector<16xi32>
        %add3A_68 = vector.broadcast %add3A_67 : i32 to vector<16xi32>
        %add3A_69 = arith.addi %add3A_68, %iota3A : vector<16xi32>
        %mul3A_70 = arith.constant 16 : i32
        %mul3A_71 = arith.muli %add3A_61, %mul3A_70 : i32
        %swap3A = arith.index_cast %add3A_51 : i32 to index
        %swap3A_72 = arith.index_cast %mul3A_71 : i32 to index
        %swap3A_73 = tpu.vector_load %arg6[%swap3A, %swap3A_72] {strides = array<i32>} : memref<8x128xi32, #tpu.memory_space<vmem>>, vector<1x16xi32>,
        %swap3A_74 = vector.shape_cast %swap3A_73 : vector<1x16xi32> to vector<16xi32>
        %swap3A_75 = vector.shape_cast %add3A_69 : vector<16xi32> to vector<1x16xi32>
        tpu.vector_store %arg6[%swap3A, %swap3A_72], %swap3A_75 {strides = array<i32>} : memref<8x128xi32, #tpu.memory_space<vmem>>, vector<1x16xi32>,
      }
      %scan3A_56 = arith.constant 8 : i32
    }
    %scan3A_6 = arith.constant 8 : i32
    %scan3A_7 = arith.constant 0 : i32
    %scan3A_8 = arith.constant 8 : i32
    %scan3A_9 = arith.addi %scan3A_7, %scan3A_8 : i32
    %scan3A_10 = arith.constant 1 : i32
    scf.for %scan3A_48 = %scan3A_7 to %scan3A_9 step %scan3A_10  : i32 {
      %mul3A_49 = arith.constant 1 : i32
      %mul3A_50 = arith.muli %scan3A_48, %mul3A_49 : i32
      %add3A = arith.constant 0 : i32
      %add3A_51 = arith.addi %add3A, %mul3A_50 : i32
      %dma_start3A = arith.constant 0 : i32
      %dma_start3A_52 = tpu.memref_slice %arg6[%add3A_51, %dma_start3A] : memref<8x128xi32, #tpu.memory_space<vmem>> -> memref<1x128xi32, #tpu.memory_space<vmem>>
      %dma_start3A_53 = tpu.memref_squeeze %dma_start3A_52 : memref<1x128xi32, #tpu.memory_space<vmem>> -> memref<128xi32, #tpu.memory_space<vmem>>
      %dma_start3A_54 = arith.constant 0 : i32
      %dma_start3A_55 = tpu.memref_slice %arg5[%add3A_51, %dma_start3A_54] : memref<8x128xi32, #tpu.memory_space<vmem>> -> memref<1x128xi32, #tpu.memory_space<vmem>>
      %dma_start3A_56 = tpu.memref_squeeze %dma_start3A_55 : memref<1x128xi32, #tpu.memory_space<vmem>> -> memref<128xi32, #tpu.memory_space<vmem>>
      %dma_start3A_57 = arith.constant 0 : i32
      %dma_start3A_58 = tpu.memref_slice %arg10[%dma_start3A_57] : memref<1016384xi32, #tpu.memory_space<vmem_shared>> -> memref<1016384xi32, #tpu.memory_space<vmem_shared>>
      tpu.enqueue_indirect_dma source(%dma_start3A_53 : memref<128xi32, #tpu.memory_space<vmem>>) target(%dma_start3A_58 : memref<1016384xi32, #tpu.memory_space<vmem_shared>>) offsets(%dma_start3A_56 : memref<128xi32, #tpu.memory_space<vmem>>) semaphore(%arg13 : memref<!tpu.dma_semaphore, #tpu.memory_space<semaphore_mem>>)
    }
    %scan3A_11 = arith.constant 8 : i32
    %scan3A_12 = arith.constant 0 : i32
    %scan3A_13 = arith.constant 8 : i32
    %scan3A_14 = arith.addi %scan3A_12, %scan3A_13 : i32
    %scan3A_15 = arith.constant 1 : i32
    scf.for %scan3A_48 = %scan3A_12 to %scan3A_14 step %scan3A_15  : i32 {
      %mul3A_49 = arith.constant 1 : i32
      %mul3A_50 = arith.muli %scan3A_48, %mul3A_49 : i32
      %add3A = arith.constant 0 : i32
      %add3A_51 = arith.addi %add3A, %mul3A_50 : i32
      %dma_wait3A = arith.constant 0 : i32
      %dma_wait3A_52 = tpu.memref_slice %arg6[%add3A_51, %dma_wait3A] : memref<8x128xi32, #tpu.memory_space<vmem>> -> memref<1x128xi32, #tpu.memory_space<vmem>>
      %dma_wait3A_53 = tpu.memref_squeeze %dma_wait3A_52 : memref<1x128xi32, #tpu.memory_space<vmem>> -> memref<128xi32, #tpu.memory_space<vmem>>
      %dma_wait3A_54 = arith.constant 0 : i32
      %dma_wait3A_55 = tpu.memref_slice %arg5[%add3A_51, %dma_wait3A_54] : memref<8x128xi32, #tpu.memory_space<vmem>> -> memref<1x128xi32, #tpu.memory_space<vmem>>
      %dma_wait3A_56 = tpu.memref_squeeze %dma_wait3A_55 : memref<1x128xi32, #tpu.memory_space<vmem>> -> memref<128xi32, #tpu.memory_space<vmem>>
      %dma_wait3A_57 = arith.constant 0 : i32
      %dma_wait3A_58 = tpu.memref_slice %arg10[%dma_wait3A_57] : memref<1016384xi32, #tpu.memory_space<vmem_shared>> -> memref<1016384xi32, #tpu.memory_space<vmem_shared>>
      tpu.wait_indirect_dma semaphore(%arg13 : memref<!tpu.dma_semaphore, #tpu.memory_space<semaphore_mem>>) src(%dma_wait3A_53 : memref<128xi32, #tpu.memory_space<vmem>>) dst(%dma_wait3A_58 : memref<1016384xi32, #tpu.memory_space<vmem_shared>>)
    }
    %scan3A_16 = arith.constant 8 : i32
    %barrier3A = arith.constant 0 : index
    tpu.barrier barrier_id(%barrier3A)
    %scan3A_17 = arith.constant 0 : i32
    %scan3A_18 = arith.constant 4 : i32
    %scan3A_19 = arith.addi %scan3A_17, %scan3A_18 : i32
    %scan3A_20 = arith.constant 1 : i32
    scf.for %scan3A_48 = %scan3A_17 to %scan3A_19 step %scan3A_20  : i32 {
      %mul3A_49 = arith.constant 1 : i32
      %mul3A_50 = arith.muli %scan3A_48, %mul3A_49 : i32
      %add3A = arith.constant 0 : i32
      %add3A_51 = arith.addi %add3A, %mul3A_50 : i32
      %scan3A_52 = arith.constant 0 : i32
      %scan3A_53 = arith.constant 8 : i32
      %scan3A_54 = arith.addi %scan3A_52, %scan3A_53 : i32
      %scan3A_55 = arith.constant 1 : i32
      scf.for %scan3A_78 = %scan3A_52 to %scan3A_54 step %scan3A_55  : i32 {
        %mul3A_79 = arith.constant 1 : i32
        %mul3A_80 = arith.muli %scan3A_78, %mul3A_79 : i32
        %add3A_81 = arith.constant 0 : i32
        %add3A_82 = arith.addi %add3A_81, %mul3A_80 : i32
        %dma_start3A = arith.constant 0 : i32
        %dma_start3A_83 = tpu.memref_slice %arg8[%add3A_82, %dma_start3A] : memref<8x128xi32, #tpu.memory_space<vmem>> -> memref<1x128xi32, #tpu.memory_space<vmem>>
        %dma_start3A_84 = tpu.memref_squeeze %dma_start3A_83 : memref<1x128xi32, #tpu.memory_space<vmem>> -> memref<128xi32, #tpu.memory_space<vmem>>
        %dma_start3A_85 = arith.constant 0 : i32
        %dma_start3A_86 = tpu.memref_slice %arg5[%add3A_82, %dma_start3A_85] : memref<8x128xi32, #tpu.memory_space<vmem>> -> memref<1x128xi32, #tpu.memory_space<vmem>>
        %dma_start3A_87 = tpu.memref_squeeze %dma_start3A_86 : memref<1x128xi32, #tpu.memory_space<vmem>> -> memref<128xi32, #tpu.memory_space<vmem>>
        %dma_start3A_88 = arith.constant 0 : i32
        %dma_start3A_89 = tpu.memref_slice %arg10[%dma_start3A_88] : memref<1016384xi32, #tpu.memory_space<vmem_shared>> -> memref<1016384xi32, #tpu.memory_space<vmem_shared>>
        tpu.enqueue_indirect_dma source(%dma_start3A_89 : memref<1016384xi32, #tpu.memory_space<vmem_shared>>) target(%dma_start3A_84 : memref<128xi32, #tpu.memory_space<vmem>>) offsets(%dma_start3A_87 : memref<128xi32, #tpu.memory_space<vmem>>) semaphore(%arg13 : memref<!tpu.dma_semaphore, #tpu.memory_space<semaphore_mem>>)
      }
      %scan3A_56 = arith.constant 8 : i32
      %scan3A_57 = arith.constant 0 : i32
      %scan3A_58 = arith.constant 8 : i32
      %scan3A_59 = arith.addi %scan3A_57, %scan3A_58 : i32
      %scan3A_60 = arith.constant 1 : i32
      scf.for %scan3A_78 = %scan3A_57 to %scan3A_59 step %scan3A_60  : i32 {
        %mul3A_79 = arith.constant 1 : i32
        %mul3A_80 = arith.muli %scan3A_78, %mul3A_79 : i32
        %add3A_81 = arith.constant 0 : i32
        %add3A_82 = arith.addi %add3A_81, %mul3A_80 : i32
        %dma_wait3A = arith.constant 0 : i32
        %dma_wait3A_83 = tpu.memref_slice %arg8[%add3A_82, %dma_wait3A] : memref<8x128xi32, #tpu.memory_space<vmem>> -> memref<1x128xi32, #tpu.memory_space<vmem>>
        %dma_wait3A_84 = tpu.memref_squeeze %dma_wait3A_83 : memref<1x128xi32, #tpu.memory_space<vmem>> -> memref<128xi32, #tpu.memory_space<vmem>>
        %dma_wait3A_85 = arith.constant 0 : i32
        %dma_wait3A_86 = tpu.memref_slice %arg5[%add3A_82, %dma_wait3A_85] : memref<8x128xi32, #tpu.memory_space<vmem>> -> memref<1x128xi32, #tpu.memory_space<vmem>>
        %dma_wait3A_87 = tpu.memref_squeeze %dma_wait3A_86 : memref<1x128xi32, #tpu.memory_space<vmem>> -> memref<128xi32, #tpu.memory_space<vmem>>
        %dma_wait3A_88 = arith.constant 0 : i32
        %dma_wait3A_89 = tpu.memref_slice %arg10[%dma_wait3A_88] : memref<1016384xi32, #tpu.memory_space<vmem_shared>> -> memref<1016384xi32, #tpu.memory_space<vmem_shared>>
        tpu.wait_indirect_dma semaphore(%arg13 : memref<!tpu.dma_semaphore, #tpu.memory_space<semaphore_mem>>) src(%dma_wait3A_89 : memref<1016384xi32, #tpu.memory_space<vmem_shared>>) dst(%dma_wait3A_84 : memref<128xi32, #tpu.memory_space<vmem>>)
      }
      %scan3A_61 = arith.constant 8 : i32
      %scan3A_62 = arith.constant 0 : i32
      %scan3A_63 = arith.constant 8 : i32
      %scan3A_64 = arith.addi %scan3A_62, %scan3A_63 : i32
      %scan3A_65 = arith.constant 1 : i32
      scf.for %scan3A_78 = %scan3A_62 to %scan3A_64 step %scan3A_65  : i32 {
        %mul3A_79 = arith.constant 1 : i32
        %mul3A_80 = arith.muli %scan3A_78, %mul3A_79 : i32
        %add3A_81 = arith.constant 0 : i32
        %add3A_82 = arith.addi %add3A_81, %mul3A_80 : i32
        %scan3A_83 = arith.constant 0 : i32
        %scan3A_84 = arith.constant 8 : i32
        %scan3A_85 = arith.addi %scan3A_83, %scan3A_84 : i32
        %scan3A_86 = arith.constant 1 : i32
        scf.for %scan3A_88 = %scan3A_83 to %scan3A_85 step %scan3A_86  : i32 {
          %mul3A_89 = arith.constant 1 : i32
          %mul3A_90 = arith.muli %scan3A_88, %mul3A_89 : i32
          %add3A_91 = arith.constant 0 : i32
          %add3A_92 = arith.addi %add3A_91, %mul3A_90 : i32
          %mul3A_93 = arith.constant 16 : i32
          %mul3A_94 = arith.muli %add3A_92, %mul3A_93 : i32
          %get3A = arith.index_cast %add3A_82 : i32 to index
          %get3A_95 = arith.index_cast %mul3A_94 : i32 to index
          %get3A_96 = tpu.vector_load %arg6[%get3A, %get3A_95] {strides = array<i32>} : memref<8x128xi32, #tpu.memory_space<vmem>>, vector<1x16xi32>,
          %get3A_97 = vector.shape_cast %get3A_96 : vector<1x16xi32> to vector<16xi32>
          %get3A_98 = arith.index_cast %add3A_82 : i32 to index
          %get3A_99 = arith.index_cast %mul3A_94 : i32 to index
          %get3A_100 = tpu.vector_load %arg8[%get3A_98, %get3A_99] {strides = array<i32>} : memref<8x128xi32, #tpu.memory_space<vmem>>, vector<1x16xi32>,
          %get3A_101 = vector.shape_cast %get3A_100 : vector<1x16xi32> to vector<16xi32>
          %gt3A = arith.cmpi sgt, %get3A_97, %get3A_101 : vector<16xi32>
          %get3A_102 = arith.index_cast %add3A_82 : i32 to index
          %get3A_103 = arith.index_cast %mul3A_94 : i32 to index
          %get3A_104 = tpu.vector_load %arg5[%get3A_102, %get3A_103] {strides = array<i32>} : memref<8x128xi32, #tpu.memory_space<vmem>>, vector<1x16xi32>,
          %get3A_105 = vector.shape_cast %get3A_104 : vector<1x16xi32> to vector<16xi32>
          %get3A_106 = arith.index_cast %add3A_82 : i32 to index
          %get3A_107 = arith.index_cast %mul3A_94 : i32 to index
          %get3A_108 = tpu.vector_load %arg6[%get3A_106, %get3A_107] {strides = array<i32>} : memref<8x128xi32, #tpu.memory_space<vmem>>, vector<1x16xi32>,
          %get3A_109 = vector.shape_cast %get3A_108 : vector<1x16xi32> to vector<16xi32>
          %add3A_110 = arith.constant 1000000 : i32
          %add3A_111 = vector.broadcast %add3A_110 : i32 to vector<16xi32>
          %add3A_112 = arith.addi %add3A_111, %get3A_109 : vector<16xi32>
          %select_n3A = arith.select %gt3A, %get3A_105, %add3A_112 : vector<16xi1>, vector<16xi32>
          %swap3A = arith.index_cast %add3A_82 : i32 to index
          %swap3A_113 = arith.index_cast %mul3A_94 : i32 to index
          %swap3A_114 = tpu.vector_load %arg7[%swap3A, %swap3A_113] {strides = array<i32>} : memref<8x128xi32, #tpu.memory_space<vmem>>, vector<1x16xi32>,
          %swap3A_115 = vector.shape_cast %swap3A_114 : vector<1x16xi32> to vector<16xi32>
          %swap3A_116 = vector.shape_cast %select_n3A : vector<16xi32> to vector<1x16xi32>
          tpu.vector_store %arg7[%swap3A, %swap3A_113], %swap3A_116 {strides = array<i32>} : memref<8x128xi32, #tpu.memory_space<vmem>>, vector<1x16xi32>,
        }
        %scan3A_87 = arith.constant 8 : i32
      }
      %scan3A_66 = arith.constant 8 : i32
      %scan3A_67 = arith.constant 0 : i32
      %scan3A_68 = arith.constant 8 : i32
      %scan3A_69 = arith.addi %scan3A_67, %scan3A_68 : i32
      %scan3A_70 = arith.constant 1 : i32
      scf.for %scan3A_78 = %scan3A_67 to %scan3A_69 step %scan3A_70  : i32 {
        %mul3A_79 = arith.constant 1 : i32
        %mul3A_80 = arith.muli %scan3A_78, %mul3A_79 : i32
        %add3A_81 = arith.constant 0 : i32
        %add3A_82 = arith.addi %add3A_81, %mul3A_80 : i32
        %dma_start3A = arith.constant 0 : i32
        %dma_start3A_83 = tpu.memref_slice %arg6[%add3A_82, %dma_start3A] : memref<8x128xi32, #tpu.memory_space<vmem>> -> memref<1x128xi32, #tpu.memory_space<vmem>>
        %dma_start3A_84 = tpu.memref_squeeze %dma_start3A_83 : memref<1x128xi32, #tpu.memory_space<vmem>> -> memref<128xi32, #tpu.memory_space<vmem>>
        %dma_start3A_85 = arith.constant 0 : i32
        %dma_start3A_86 = tpu.memref_slice %arg7[%add3A_82, %dma_start3A_85] : memref<8x128xi32, #tpu.memory_space<vmem>> -> memref<1x128xi32, #tpu.memory_space<vmem>>
        %dma_start3A_87 = tpu.memref_squeeze %dma_start3A_86 : memref<1x128xi32, #tpu.memory_space<vmem>> -> memref<128xi32, #tpu.memory_space<vmem>>
        %dma_start3A_88 = arith.constant 0 : i32
        %dma_start3A_89 = tpu.memref_slice %arg10[%dma_start3A_88] : memref<1016384xi32, #tpu.memory_space<vmem_shared>> -> memref<1016384xi32, #tpu.memory_space<vmem_shared>>
        tpu.enqueue_indirect_dma source(%dma_start3A_84 : memref<128xi32, #tpu.memory_space<vmem>>) target(%dma_start3A_89 : memref<1016384xi32, #tpu.memory_space<vmem_shared>>) offsets(%dma_start3A_87 : memref<128xi32, #tpu.memory_space<vmem>>) semaphore(%arg13 : memref<!tpu.dma_semaphore, #tpu.memory_space<semaphore_mem>>)
      }
      %scan3A_71 = arith.constant 8 : i32
      %scan3A_72 = arith.constant 0 : i32
      %scan3A_73 = arith.constant 8 : i32
      %scan3A_74 = arith.addi %scan3A_72, %scan3A_73 : i32
      %scan3A_75 = arith.constant 1 : i32
      scf.for %scan3A_78 = %scan3A_72 to %scan3A_74 step %scan3A_75  : i32 {
        %mul3A_79 = arith.constant 1 : i32
        %mul3A_80 = arith.muli %scan3A_78, %mul3A_79 : i32
        %add3A_81 = arith.constant 0 : i32
        %add3A_82 = arith.addi %add3A_81, %mul3A_80 : i32
        %dma_wait3A = arith.constant 0 : i32
        %dma_wait3A_83 = tpu.memref_slice %arg6[%add3A_82, %dma_wait3A] : memref<8x128xi32, #tpu.memory_space<vmem>> -> memref<1x128xi32, #tpu.memory_space<vmem>>
        %dma_wait3A_84 = tpu.memref_squeeze %dma_wait3A_83 : memref<1x128xi32, #tpu.memory_space<vmem>> -> memref<128xi32, #tpu.memory_space<vmem>>
        %dma_wait3A_85 = arith.constant 0 : i32
        %dma_wait3A_86 = tpu.memref_slice %arg7[%add3A_82, %dma_wait3A_85] : memref<8x128xi32, #tpu.memory_space<vmem>> -> memref<1x128xi32, #tpu.memory_space<vmem>>
        %dma_wait3A_87 = tpu.memref_squeeze %dma_wait3A_86 : memref<1x128xi32, #tpu.memory_space<vmem>> -> memref<128xi32, #tpu.memory_space<vmem>>
        %dma_wait3A_88 = arith.constant 0 : i32
        %dma_wait3A_89 = tpu.memref_slice %arg10[%dma_wait3A_88] : memref<1016384xi32, #tpu.memory_space<vmem_shared>> -> memref<1016384xi32, #tpu.memory_space<vmem_shared>>
        tpu.wait_indirect_dma semaphore(%arg13 : memref<!tpu.dma_semaphore, #tpu.memory_space<semaphore_mem>>) src(%dma_wait3A_84 : memref<128xi32, #tpu.memory_space<vmem>>) dst(%dma_wait3A_89 : memref<1016384xi32, #tpu.memory_space<vmem_shared>>)
      }
      %scan3A_76 = arith.constant 8 : i32
      %barrier3A_77 = arith.constant 0 : index
      tpu.barrier barrier_id(%barrier3A_77)
    }
    %scan3A_21 = arith.constant 4 : i32
    %eq3A_22 = arith.constant 0 : i32
    %eq3A_23 = arith.cmpi eq, %arg1, %eq3A_22 : i32
    %convert_element_type3A_24 = arith.extui %eq3A_23 : i1 to i32
    %cond3A_25 = arith.constant 0 : i32
    %cond3A_26 = arith.cmpi ne, %convert_element_type3A_24, %cond3A_25 : i32
    scf.if %cond3A_26 {
      tpu.wait_dma2 semaphore(%arg12 : memref<!tpu.dma_semaphore, #tpu.memory_space<semaphore_mem>>) src(%arg3 : memref<16384xf32, #tpu.memory_space<hbm>>) dst(%arg11 : memref<16384xf32, #tpu.memory_space<vmem_shared>>)
    } else {
    }
    %barrier3A_27 = arith.constant 0 : index
    tpu.barrier barrier_id(%barrier3A_27)
    %scan3A_28 = arith.constant 0 : i32
    %scan3A_29 = arith.constant 8 : i32
    %scan3A_30 = arith.addi %scan3A_28, %scan3A_29 : i32
    %scan3A_31 = arith.constant 1 : i32
    scf.for %scan3A_48 = %scan3A_28 to %scan3A_30 step %scan3A_31  : i32 {
      %mul3A_49 = arith.constant 1 : i32
      %mul3A_50 = arith.muli %scan3A_48, %mul3A_49 : i32
      %add3A = arith.constant 0 : i32
      %add3A_51 = arith.addi %add3A, %mul3A_50 : i32
      %dma_start3A = arith.constant 0 : i32
      %dma_start3A_52 = tpu.memref_slice %arg8[%add3A_51, %dma_start3A] : memref<8x128xi32, #tpu.memory_space<vmem>> -> memref<1x128xi32, #tpu.memory_space<vmem>>
      %dma_start3A_53 = tpu.memref_squeeze %dma_start3A_52 : memref<1x128xi32, #tpu.memory_space<vmem>> -> memref<128xi32, #tpu.memory_space<vmem>>
      %dma_start3A_54 = arith.constant 0 : i32
      %dma_start3A_55 = tpu.memref_slice %arg5[%add3A_51, %dma_start3A_54] : memref<8x128xi32, #tpu.memory_space<vmem>> -> memref<1x128xi32, #tpu.memory_space<vmem>>
      %dma_start3A_56 = tpu.memref_squeeze %dma_start3A_55 : memref<1x128xi32, #tpu.memory_space<vmem>> -> memref<128xi32, #tpu.memory_space<vmem>>
      %dma_start3A_57 = arith.constant 0 : i32
      %dma_start3A_58 = tpu.memref_slice %arg10[%dma_start3A_57] : memref<1016384xi32, #tpu.memory_space<vmem_shared>> -> memref<1016384xi32, #tpu.memory_space<vmem_shared>>
      tpu.enqueue_indirect_dma source(%dma_start3A_58 : memref<1016384xi32, #tpu.memory_space<vmem_shared>>) target(%dma_start3A_53 : memref<128xi32, #tpu.memory_space<vmem>>) offsets(%dma_start3A_56 : memref<128xi32, #tpu.memory_space<vmem>>) semaphore(%arg13 : memref<!tpu.dma_semaphore, #tpu.memory_space<semaphore_mem>>)
    }
    %scan3A_32 = arith.constant 8 : i32
    %scan3A_33 = arith.constant 0 : i32
    %scan3A_34 = arith.constant 8 : i32
    %scan3A_35 = arith.addi %scan3A_33, %scan3A_34 : i32
    %scan3A_36 = arith.constant 1 : i32
    scf.for %scan3A_48 = %scan3A_33 to %scan3A_35 step %scan3A_36  : i32 {
      %mul3A_49 = arith.constant 1 : i32
      %mul3A_50 = arith.muli %scan3A_48, %mul3A_49 : i32
      %add3A = arith.constant 0 : i32
      %add3A_51 = arith.addi %add3A, %mul3A_50 : i32
      %dma_wait3A = arith.constant 0 : i32
      %dma_wait3A_52 = tpu.memref_slice %arg8[%add3A_51, %dma_wait3A] : memref<8x128xi32, #tpu.memory_space<vmem>> -> memref<1x128xi32, #tpu.memory_space<vmem>>
      %dma_wait3A_53 = tpu.memref_squeeze %dma_wait3A_52 : memref<1x128xi32, #tpu.memory_space<vmem>> -> memref<128xi32, #tpu.memory_space<vmem>>
      %dma_wait3A_54 = arith.constant 0 : i32
      %dma_wait3A_55 = tpu.memref_slice %arg5[%add3A_51, %dma_wait3A_54] : memref<8x128xi32, #tpu.memory_space<vmem>> -> memref<1x128xi32, #tpu.memory_space<vmem>>
      %dma_wait3A_56 = tpu.memref_squeeze %dma_wait3A_55 : memref<1x128xi32, #tpu.memory_space<vmem>> -> memref<128xi32, #tpu.memory_space<vmem>>
      %dma_wait3A_57 = arith.constant 0 : i32
      %dma_wait3A_58 = tpu.memref_slice %arg10[%dma_wait3A_57] : memref<1016384xi32, #tpu.memory_space<vmem_shared>> -> memref<1016384xi32, #tpu.memory_space<vmem_shared>>
      tpu.wait_indirect_dma semaphore(%arg13 : memref<!tpu.dma_semaphore, #tpu.memory_space<semaphore_mem>>) src(%dma_wait3A_58 : memref<1016384xi32, #tpu.memory_space<vmem_shared>>) dst(%dma_wait3A_53 : memref<128xi32, #tpu.memory_space<vmem>>)
    }
    %scan3A_37 = arith.constant 8 : i32
    %scan3A_38 = arith.constant 0 : i32
    %scan3A_39 = arith.constant 8 : i32
    %scan3A_40 = arith.addi %scan3A_38, %scan3A_39 : i32
    %scan3A_41 = arith.constant 1 : i32
    scf.for %scan3A_48 = %scan3A_38 to %scan3A_40 step %scan3A_41  : i32 {
      %mul3A_49 = arith.constant 1 : i32
      %mul3A_50 = arith.muli %scan3A_48, %mul3A_49 : i32
      %add3A = arith.constant 0 : i32
      %add3A_51 = arith.addi %add3A, %mul3A_50 : i32
      %dma_start3A = arith.constant 0 : i32
      %dma_start3A_52 = tpu.memref_slice %arg9[%add3A_51, %dma_start3A] : memref<8x128xf32, #tpu.memory_space<vmem>> -> memref<1x128xf32, #tpu.memory_space<vmem>>
      %dma_start3A_53 = tpu.memref_squeeze %dma_start3A_52 : memref<1x128xf32, #tpu.memory_space<vmem>> -> memref<128xf32, #tpu.memory_space<vmem>>
      %dma_start3A_54 = arith.constant 0 : i32
      %dma_start3A_55 = tpu.memref_slice %arg8[%add3A_51, %dma_start3A_54] : memref<8x128xi32, #tpu.memory_space<vmem>> -> memref<1x128xi32, #tpu.memory_space<vmem>>
      %dma_start3A_56 = tpu.memref_squeeze %dma_start3A_55 : memref<1x128xi32, #tpu.memory_space<vmem>> -> memref<128xi32, #tpu.memory_space<vmem>>
      %dma_start3A_57 = arith.constant 0 : i32
      %dma_start3A_58 = tpu.memref_slice %arg11[%dma_start3A_57] : memref<16384xf32, #tpu.memory_space<vmem_shared>> -> memref<16384xf32, #tpu.memory_space<vmem_shared>>
      tpu.enqueue_indirect_dma source(%dma_start3A_58 : memref<16384xf32, #tpu.memory_space<vmem_shared>>) target(%dma_start3A_53 : memref<128xf32, #tpu.memory_space<vmem>>) offsets(%dma_start3A_56 : memref<128xi32, #tpu.memory_space<vmem>>) semaphore(%arg13 : memref<!tpu.dma_semaphore, #tpu.memory_space<semaphore_mem>>)
    }
    %scan3A_42 = arith.constant 8 : i32
    %scan3A_43 = arith.constant 0 : i32
    %scan3A_44 = arith.constant 8 : i32
    %scan3A_45 = arith.addi %scan3A_43, %scan3A_44 : i32
    %scan3A_46 = arith.constant 1 : i32
    scf.for %scan3A_48 = %scan3A_43 to %scan3A_45 step %scan3A_46  : i32 {
      %mul3A_49 = arith.constant 1 : i32
      %mul3A_50 = arith.muli %scan3A_48, %mul3A_49 : i32
      %add3A = arith.constant 0 : i32
      %add3A_51 = arith.addi %add3A, %mul3A_50 : i32
      %dma_wait3A = arith.constant 0 : i32
      %dma_wait3A_52 = tpu.memref_slice %arg9[%add3A_51, %dma_wait3A] : memref<8x128xf32, #tpu.memory_space<vmem>> -> memref<1x128xf32, #tpu.memory_space<vmem>>
      %dma_wait3A_53 = tpu.memref_squeeze %dma_wait3A_52 : memref<1x128xf32, #tpu.memory_space<vmem>> -> memref<128xf32, #tpu.memory_space<vmem>>
      %dma_wait3A_54 = arith.constant 0 : i32
      %dma_wait3A_55 = tpu.memref_slice %arg8[%add3A_51, %dma_wait3A_54] : memref<8x128xi32, #tpu.memory_space<vmem>> -> memref<1x128xi32, #tpu.memory_space<vmem>>
      %dma_wait3A_56 = tpu.memref_squeeze %dma_wait3A_55 : memref<1x128xi32, #tpu.memory_space<vmem>> -> memref<128xi32, #tpu.memory_space<vmem>>
      %dma_wait3A_57 = arith.constant 0 : i32
      %dma_wait3A_58 = tpu.memref_slice %arg11[%dma_wait3A_57] : memref<16384xf32, #tpu.memory_space<vmem_shared>> -> memref<16384xf32, #tpu.memory_space<vmem_shared>>
      tpu.wait_indirect_dma semaphore(%arg13 : memref<!tpu.dma_semaphore, #tpu.memory_space<semaphore_mem>>) src(%dma_wait3A_58 : memref<16384xf32, #tpu.memory_space<vmem_shared>>) dst(%dma_wait3A_53 : memref<128xf32, #tpu.memory_space<vmem>>)
    }
    %scan3A_47 = arith.constant 8 : i32
    "tpu.region"() ({
      %run_scoped3A = tpu.sem_alloc : memref<!tpu.dma_semaphore, #tpu.memory_space<semaphore_mem>>
      %dma_start3A = arith.constant 0 : i32
      %dma_start3A_48 = tpu.memref_slice %arg4[%mul3A_0, %dma_start3A] : memref<128x128xf32, #tpu.memory_space<hbm>> -> memref<8x128xf32, #tpu.memory_space<hbm>>
      %dma_start3A_49 = arith.constant 0 : i32
      %dma_start3A_50 = tpu.memref_slice %arg4[%mul3A_0, %dma_start3A_49] : memref<128x128xf32, #tpu.memory_space<hbm>> -> memref<8x128xf32, #tpu.memory_space<hbm>>
      tpu.enqueue_dma source(%arg9 : memref<8x128xf32, #tpu.memory_space<vmem>>) target(%dma_start3A_50 : memref<8x128xf32, #tpu.memory_space<hbm>>) target_semaphore(%run_scoped3A : memref<!tpu.dma_semaphore, #tpu.memory_space<semaphore_mem>>)
      %dma_wait3A = arith.constant 0 : i32
      %dma_wait3A_51 = tpu.memref_slice %arg4[%mul3A_0, %dma_wait3A] : memref<128x128xf32, #tpu.memory_space<hbm>> -> memref<8x128xf32, #tpu.memory_space<hbm>>
      %dma_wait3A_52 = arith.constant 0 : i32
      %dma_wait3A_53 = tpu.memref_slice %arg4[%mul3A_0, %dma_wait3A_52] : memref<128x128xf32, #tpu.memory_space<hbm>> -> memref<8x128xf32, #tpu.memory_space<hbm>>
      tpu.wait_dma2 semaphore(%run_scoped3A : memref<!tpu.dma_semaphore, #tpu.memory_space<semaphore_mem>>) src(%arg9 : memref<8x128xf32, #tpu.memory_space<vmem>>) dst(%dma_wait3A_53 : memref<8x128xf32, #tpu.memory_space<hbm>>)
      tpu.yield
    }) : () -> ()
    return
  }
}

module attributes {stable_mosaic.version = 14 : i64} {
  func.func @_score_body(%arg0: memref<64x16384xf32, #tpu.memory_space<vmem>>, %arg1: memref<64x64xf32, #tpu.memory_space<vmem>>, %arg2: memref<64xf32, #tpu.memory_space<vmem>>, %arg3: memref<64xf32, #tpu.memory_space<vmem>>, %arg4: memref<16384xf32, #tpu.memory_space<vmem>>) attributes {dimension_semantics = [], scalar_prefetch = 0 : i64, scratch_operands = 0 : i64, tpu.core_type = #tpu.core_type<tc>} {
    %get3A = arith.constant 0 : index
    %get3A_0 = arith.constant 0 : index
    %get3A_1 = vector.load %arg1[%get3A, %get3A_0] : memref<64x64xf32, #tpu.memory_space<vmem>>, vector<64x64xf32>
    %get3A_2 = arith.constant 0 : index
    %get3A_3 = arith.constant 0 : index
    %get3A_4 = vector.load %arg0[%get3A_2, %get3A_3] : memref<64x16384xf32, #tpu.memory_space<vmem>>, vector<64x16384xf32>
    %dot_general3A = arith.constant dense<0.000000e+00> : vector<64x16384xf32>
    %dot_general3A_5 = tpu.matmul %get3A_1, %get3A_4, %dot_general3A {dimension_numbers = #tpu.dot_dimension_numbers<[0], [0], [1], [1], [0, 1, 1, 1], [], []>, transpose_lhs_hint = false} : vector<64x64xf32>, vector<64x16384xf32>, vector<64x16384xf32> -> vector<64x16384xf32>
    %get3A_6 = arith.constant 0 : index
    %get3A_7 = vector.load %arg2[%get3A_6] : memref<64xf32, #tpu.memory_space<vmem>>, vector<64xf32>
    %broadcast_in_dim3A = vector.shape_cast %get3A_7 : vector<64xf32> to vector<64x1xf32>
    %add3A = vector.broadcast %broadcast_in_dim3A : vector<64x1xf32> to vector<64x16384xf32>
    %add3A_8 = arith.addf %dot_general3A_5, %add3A : vector<64x16384xf32>
    %max3A = arith.constant 0.000000e+00 : f32
    %max3A_9 = vector.broadcast %max3A : f32 to vector<64x16384xf32>
    %max3A_10 = arith.maximumf %add3A_8, %max3A_9 : vector<64x16384xf32>
    %get3A_11 = arith.constant 0 : index
    %get3A_12 = vector.load %arg3[%get3A_11] : memref<64xf32, #tpu.memory_space<vmem>>, vector<64xf32>
    %broadcast_in_dim3A_13 = vector.shape_cast %get3A_12 : vector<64xf32> to vector<64x1xf32>
    %mul3A = vector.broadcast %broadcast_in_dim3A_13 : vector<64x1xf32> to vector<64x16384xf32>
    %mul3A_14 = arith.mulf %max3A_10, %mul3A : vector<64x16384xf32>
    %reduce_sum3A = arith.constant dense<0.000000e+00> : vector<16384xf32>
    %reduce_sum3A_15 = vector.multi_reduction <add>, %mul3A_14, %reduce_sum3A [0] : vector<64x16384xf32> to vector<16384xf32>
    %swap3A = arith.constant 0 : index
    %swap3A_16 = vector.load %arg4[%swap3A] : memref<16384xf32, #tpu.memory_space<vmem>>, vector<16384xf32>
    tpu.vector_store %arg4[%swap3A], %reduce_sum3A_15 {strides = array<i32>} : memref<16384xf32, #tpu.memory_space<vmem>>, vector<16384xf32>,
    return
  }
}

</mosaic_0001>

<sc_bundles>
// kernel: kernel.4.cloned.1.call-start
scs
__scs_entry_jumppad:
0x0: {  	(pc) =	sbr.rel $0x88, $3  }
0x1: {  	(tag) =	ssettag $0x0;
	lr =	simm.s32 $0x1  }
0x2: {  	[smem:$0x3F9C] =	sst lr;
	_ =	strace $0xD0000000  }
0x3: {  	_ = 	snop  }
0x4: {  	_ = 	snop  }
0x5: {  	_ = 	snop  }
0x6: {  	_ = 	snop  }
0x7: {  	_ = 	snop  }
__scs_overlays_trampoline_lowered:
0x8: {  	[smem:$0x3FAB] =	sst s0  }
0x9: {  	[smem:$0x3FAC] =	sst s1  }
0xa: {  	[smem:$0x3FAD] =	sst s2  }
0xb: {  	[smem:$0x3FAE] =	sst s3  }
0xc: {  	[smem:$0x3FAF] =	sst s4  }
0xd: {  	[smem:$0x3FB0] =	sst s5  }
0xe: {  	[smem:$0x3FB1] =	sst s6  }
0xf: {  	[smem:$0x3FB2] =	sst s7  }
0x10: {  	[smem:$0x3FB3] =	sst s8  }
0x11: {  	[smem:$0x3FB4] =	sst s9;
	s0 =	simm.s32 @!p0 $0x0  }
0x12: {  	s1 =	sld [smem:$0x3F9A];
	s0 =	simm.s32 @p0 $0x1  }
0x13: {  	[smem:$0x3FB5] =	sst s0;
	s0 =	simm.s32 @!p1 $0x0  }
0x14: {  	s2 =	sld [smem:$0x3F99];
	s0 =	simm.s32 @p1 $0x1  }
0x15: {  	[smem:$0x3FB6] =	sst s0;
	s0 =	simm.s32 @!p2 $0x0  }
0x16: {  	s3 =	sld [smem:$0x3FDB];
	s0 =	simm.s32 @p2 $0x1  }
0x17: {  	s4 =	simm.s32 $0x1BF5;
	[smem:$0x3FB8] =	sst s0  }
0x18: {  	s0 =	sld [smem:$0x3F9B];
	_ =	swait.ge [sflag:s4], $0x0  }
0x19: {  	s7 =	sld [smem:$0x3F9C]  }
0x1a: {  	s8 =	sadd.s32 $0xFFFFE003, lr  }
0x1b: {  	s9 =	sadd.s32 $0xFFFFFEF7, lr;
	s5 =	simm.s32 $0xFFFFFFFF;
	p2 =	slt.u32 s8, $0xFFFFF086  }
0x1c: {  	p1 =	slt.u32 s9, $0xF7A;
	s5 =	simm.s32 @!p2 $0x0  }
0x1d: {  	s5 =	simm.s32 @p1 $0x1;
	p0 =	seq.s32 s7, s2  }
0x1e: {  	s7 =	smul.u32 @!p0 $0xF7A, s2;
	p2 =	seq.s32 @!p0 s5, $0x0  }
0x1f: {  	s9 =	smul.u32 $0xF7A, s1;
	s8 =	simm.s32 @!p0 $0x1BF5;
	p2 =	por !p2, p0  }
0x20: {  	[sflag:s8] =	ssyncset.s32 @!p0 $0xFFFFF086;
	s6 =	sadd.s32 @!p0 s3, s7;
	s7 =	simm.s32 @!p0 $0x108  }
0x21: {  	s3 =	sadd.s32 s3, s9;
	s6 =	sadd.s32 @!p0 $0x88, s6;
	s7 =	simm.s32 @p2 $0x1082  }
0x22: {  	[simem:s7], [sflag:s8] =	dma.local @!p0 [hbm:s6], $0xF7A  }
0x23: {  	s9 =	sor.u32 $0xD0000000, s2;
	s6 =	simm.s32 $0x108;
	_ =	swait.ge @!p0 [sflag:s8], $0x0  }
0x24: {  	s3 =	sadd.s32 $0x88, s3;
	s6 =	simm.s32 @!p1 $0x1082;
	[sflag:s4] =	ssyncset.s32 $0xFFFFF086  }
0x25: {  	[simem:s6], [sflag:s4] =	dma.local [hbm:s3], $0xF7A  }
0x26: {  	[smem:$0x3F9C] =	sst s1;
	(tag) =	ssettag s2;
	_ =	strace s9  }
0x27: {  	s1 =	sld [smem:$0x3FAC]  }
0x28: {  	s2 =	sld [smem:$0x3FAD]  }
0x29: {  	s4 =	sld [smem:$0x3FAF]  }
0x2a: {  	p0 =	seq.s32 s5, $0x0;
	s5 =	sld [smem:$0x3FB0]  }
0x2b: {  	s6 =	sld [smem:$0x3FB1]  }
0x2c: {  	s7 =	sld [smem:$0x3FB2]  }
0x2d: {  	s3 =	simm.s32 $0x108;
	s8 =	sld [smem:$0x3FB3]  }
0x2e: {  	s3 =	simm.s32 @!p0 $0x1082;
	s9 =	sld [smem:$0x3FB4]  }
0x2f: {  	lr =	sadd.s32 s0, s3;
	s0 =	sld [smem:$0x3FAB]  }
0x30: {  	s3 =	sld [smem:$0x3FAE]  }
0x31: {  	[smem:$0x3FB7] =	sst s10  }
0x32: {  	s10 =	sld [smem:$0x3FB5];
	_ =	sdelay $0x3  }
0x33: {  	p0 =	seq.s32 s10, $0x1;
	s10 =	sld [smem:$0x3FB7];
	_ =	sdelay $0x3  }
0x34: {  	[smem:$0x3FB7] =	sst s10  }
0x35: {  	s10 =	sld [smem:$0x3FB6];
	_ =	sdelay $0x3  }
0x36: {  	p1 =	seq.s32 s10, $0x1;
	s10 =	sld [smem:$0x3FB7];
	_ =	sdelay $0x3  }
0x37: {  	[smem:$0x3FB7] =	sst s10  }
0x38: {  	s10 =	sld [smem:$0x3FB8]  }
0x39: {  	_ = 	snop;
	(pc) =	sbr.ind lr, $3  }
0x3a: {  	_ = 	snop  }
0x3b: {  	_ = 	snop  }
0x3c: {  	p2 =	seq.s32 s10, $0x1;
	s10 =	sld [smem:$0x3FB7]  }
0x3d: {  	_ =	shalt  }
0x3e: {  	_ =	shalt  }
0x3f: {  	_ =	shalt  }
0x40: {  	_ =	shalt  }
0x41: {  	_ =	shalt  }
0x42: {  	_ =	shalt  }
0x43: {  	_ =	shalt  }
0x44: {  	_ =	shalt  }
0x45: {  	_ =	shalt  }
0x46: {  	_ =	shalt  }
0x47: {  	_ =	shalt  }
0x48: {  	_ =	shalt  }
0x49: {  	_ =	shalt  }
0x4a: {  	_ =	shalt  }
0x4b: {  	_ =	shalt  }
0x4c: {  	_ =	shalt  }
0x4d: {  	_ =	shalt  }
0x4e: {  	_ =	shalt  }
0x4f: {  	_ =	shalt  }
0x50: {  	_ =	shalt  }
0x51: {  	_ =	shalt  }
0x52: {  	_ =	shalt  }
0x53: {  	_ =	shalt  }
0x54: {  	_ =	shalt  }
0x55: {  	_ =	shalt  }
0x56: {  	_ =	shalt  }
0x57: {  	_ =	shalt  }
0x58: {  	_ =	shalt  }
0x59: {  	_ =	shalt  }
0x5a: {  	_ =	shalt  }
0x5b: {  	_ =	shalt  }
0x5c: {  	_ =	shalt  }
0x5d: {  	_ =	shalt  }
0x5e: {  	_ =	shalt  }
0x5f: {  	_ =	shalt  }
0x60: {  	_ =	shalt  }
0x61: {  	_ =	shalt  }
0x62: {  	_ =	shalt  }
0x63: {  	_ =	shalt  }
0x64: {  	_ =	shalt  }
0x65: {  	_ =	shalt  }
0x66: {  	_ =	shalt  }
0x67: {  	_ =	shalt  }
0x68: {  	_ =	shalt  }
0x69: {  	_ =	shalt  }
0x6a: {  	_ =	shalt  }
0x6b: {  	_ =	shalt  }
0x6c: {  	_ =	shalt  }
0x6d: {  	_ =	shalt  }
0x6e: {  	_ =	shalt  }
0x6f: {  	_ =	shalt  }
0x70: {  	_ =	shalt  }
0x71: {  	_ =	shalt  }
0x72: {  	_ =	shalt  }
0x73: {  	_ =	shalt  }
0x74: {  	_ =	shalt  }
0x75: {  	_ =	shalt  }
0x76: {  	_ =	shalt  }
0x77: {  	_ =	shalt  }
0x78: {  	_ =	shalt  }
0x79: {  	_ =	shalt  }
0x7a: {  	_ =	shalt  }
0x7b: {  	_ =	shalt  }
0x7c: {  	_ =	shalt  }
0x7d: {  	_ =	shalt  }
0x7e: {  	_ =	shalt  }
0x7f: {  	_ =	shalt  }
0x80: {  	_ =	shalt  }
0x81: {  	_ =	shalt  }
0x82: {  	_ =	shalt  }
0x83: {  	_ =	shalt  }
0x84: {  	_ =	shalt  }
0x85: {  	_ =	shalt  }
0x86: {  	_ =	shalt  }
0x87: {  	_ =	shalt  }
.Lfunc_end0:
.L_simem_size_0:
called_computation_lowered:
.L_overlay_start_0:
0x88: {  	s0 =	sld [smem:$0x3FD9]  }
0x89: {  	s1 =	sld [smem:$0x3FFE];
	_ =	sdelay $0x3  }
0x8a: {  	s0 =	sadd.s32 s1, s0  }
0x8b: {  	[smem:$0x3FC3] =	sst s0  }
0x8c: {  	_ = 	snop  }
0x8d: {  	s0 =	sld [smem:$0x3FC9]  }
0x8e: {  	s16 =	sld [smem:$0x3FD0];
	(tm) =	ssettm $0x1  }
0x8f: {  	s2 =	sld [smem:$0x3FFB];
	_ =	sdelay $0x3  }
0x90: {  	_ =	strace s2  }
0x91: {  	s2 =	sld [smem:$0x3FFC];
	_ =	sdelay $0x3  }
0x92: {  	_ =	strace s2  }
0x93: {  	s2 =	sld [smem:$0x3FFD];
	_ =	sdelay $0x3  }
0x94: {  	_ =	strace s2  }
0x95: {  	_ =	strace $0x8FFFFFFF  }
0x96: {  	s17 =	sld [smem:$0x3FDB];
	_ =	sdelay $0x1  }
0x97: {  	s3 =	simm.s32 $_scs_section_size  }
0x98: {  	s4 =	simm.s32 $_size__tile_overlayer_lowered;
	s5 =	simm.s32 $_tile_overlayer_lowered  }
0x99: {  	s20 =	simm.s32 $0x1BFF;
	s19 =	sshll.u32 s5, $0x1;
	s2 =	sadd.s32 s3, s17  }
0x9a: {  	s6 =	simm.s32 $0x0;
	s18 =	sshll.u32 s4, $0x1;
	s4 =	sadd.s32 s19, s2  }
0x9b: {  	[timem:s6], [sflag:s20] =	dma.local [hbm:s4], s18  }
0x9c: {  	_ =	swait.ge [sflag:s20], s18  }
0x9d: {  	s3 =	ssub.s32 $0x0, s18;
	[sflag:s20] =	ssyncset.done $0x0  }
0x9e: {  	[sflag:s20] =	ssyncadd.s32 s3;
	_ =	sdelay $0x1  }
0x9f: {  	s21 =	simm.s32 $0x1B8B  }
0xa0: {  	_ =	swait.ge [sflag:s21], $0x1  }
0xa1: {  	[sflag:s21] =	ssyncset.done $0x0  }
0xa2: {  	s23 =	simm.s32 $0x1B8E;
	s22 =	sld [smem:$0x3FFE];
	[sflag:s21] =	ssyncadd.s32 $0xFFFFFFFF  }
0xa3: {  	s24 =	simm.s32 $execute0_lowered;
	[smem:$0x3FD2] =	sst s23  }
0xa4: {  	s4 =	sshll.u32 s24, $0x1;
	_ =	strace $0x80000046;
	[dreg:$0x1] =	wrdreg $0xFFFFFFFF  }
0xa5: {  	s25 =	simm.s32 $_size_execute0_lowered;
	s2 =	sadd.s32 s2, s4;
	[dreg:$0x0] =	wrdreg $0x0  }
0xa6: {  	s4 =	sshll.u32 s25, $0x1;
	[dreg:$0x2] =	wrdreg s2  }
0xa7: {  	[dreg:$0x3] =	wrdreg s4  }
0xa8: {  	[dreg:$0x4] =	wrdreg $0xC0  }
0xa9: {  	_ =	task [dreg:s6], $0x5FFFF  }
0xaa: {  	[dreg:$0x1] =	wrdreg $0xFFFFFFFF  }
0xab: {  	[dreg:$0x0] =	wrdreg $0x60  }
0xac: {  	[dreg:$0x2] =	wrdreg s0  }
0xad: {  	[dreg:$0x3] =	wrdreg s22  }
0xae: {  	[dreg:$0x4] =	wrdreg s16  }
0xaf: {  	[dreg:$0x5] =	wrdreg $0x10C280  }
0xb0: {  	[dreg:$0x6] =	wrdreg $0x14000  }
0xb1: {  	[dreg:$0x7] =	wrdreg $0x9  }
0xb2: {  	_ =	task.clear_ibuf [dreg:s6], $0x8FFFF;
	_ =	strace $0x90000046  }
0xb3: {  	s26 =	simm.s32 $0x9;
	_ =	strace $0x80000048  }
0xb4: {  	_ =	swait.ge [sflag:s26], $0x1  }
0xb5: {  	[sflag:s26] =	ssyncadd.s32 $0xFFFFFFFF  }
0xb6: {  	_ =	strace $0x90000048  }
0xb7: {  	_ =	sfence  }
0xb8: {  	s28 =	sld [smem:$0x0];
	_ =	sdelay $0x1  }
0xb9: {  	s29 =	srdreg.scid  }
0xba: {  	s30 =	sshll.u32 s29, $0xD;
	s31 =	sshrl.u32 s29, $0x2  }
0xbb: {  	s1 =	sand.u32 $0x1, s29;
	s2 =	sand.u32 $0x4000, s30;
	s0 =	sadd.s32 s31, s28  }
0xbc: {  	s1 =	sor.u32 s2, s1;
	s0 =	sshll.u32 s0, $0x11  }
0xbd: {  	s0 =	sor.u32 s0, s1  }
0xbe: {  	s0 =	sadd.s32 $0x8F2B, s0  }
0xbf: {  	[sflag:s0] =	ssyncadd.remote.s32 $0x1  }
0xc0: {  	_ =	sfence.sel $0xFFFF  }
0xc1: {  	[dreg:$0x0] =	wrdreg $0xFFFFFFFF;
	(pc) =	sbr.abs _section_cstart, $3  }
0xc2: {  	[dreg:$0x1] =	wrdreg $0xFFFFFFFF  }
0xc3: {  	_ =	task.clear_ibuf [dreg:s6], $0x2FFFF;
	_ =	strace $0x9FFFFFFF  }
0xc4: {  	(tm) =	ssettm $0x7FFFFFFF  }
0xc5: {  	_ =	shalt  }
tec
execute0_lowered:
.L_overlay_start_1:
0x0: {  	(tag) =	ssettag $0x1  }
0x1: {  	s0 =	rddreg [dreg:$0x0]  }
0x2: {  	s1 =	rddreg [dreg:$0x1]  }
0x3: {  	s2 =	rddreg [dreg:$0x2]  }
0x4: {  	s6 =	rddreg [dreg:$0x3]  }
0x5: {  	s3 =	rddreg [dreg:$0x4];
	s4 =	simm.s32 $0x0;
	s5 =	stileid.u32  }
0x6: {  	[smem:$0x7FF] =	sst s4;
	p0 =	sne.s32 s5, $0x0  }
0x7: {  	s1 =	sadd.s32 $0xE00, s1;
	s21 =	sshll.u32 s5, $0x7;
	_ =	strace $0x80000047  }
0x8: {  	s6 =	sshrl.u32 @!p0 s6, $0x3;
	s7 =	simm.s32 @!p0 $0x1C01;
	s0 =	sadd.s32 s0, s21  }
0x9: {  	[spmem:s6], [sflag:s7] =	dma.local @!p0 [hbm:s1], $0x800  }
0xa: {  	[tilespmem:s4], [sflag:$0x3] =	stream.linear.gather [hbm4b:s0+s4], $0x400, $0x38;
	[tilespmem:$0x11028] =	vst v63  }
0xb: {  	s22 =	simm.s32 $0x3;
	s0 =	sshll.u32 s5, $0xA  }
0xc: {  	_ =	swait.ge [sflag:s22], $0x400;
	s23 =	sadd.s32 $0x0, s0  }
0xd: {  	v0 =	vlaneseq.u32;
	[sflag:s22] =	ssyncset.done $0x0;
	s24 =	sadd.s32 $0x70, s23  }
0xe: {  	s1 =	simm.s32 $0x440;
	s25 =	sadd.s32 $0x10, s23;
	[sflag:s22] =	ssyncadd.s32 $0xFFFFFC00;
	v1 =	vor.u32 s24, v0  }
0xf: {  	s30 =	sadd.s32 $0x50, s23;
	v2 =	vor.u32 s25, v0;
	[tilespmem:s1+$0x30] =	vst v1  }
0x10: {  	s26 =	sadd.s32 $0x20, s23;
	v3 =	vor.u32 s30, v0;
	[tilespmem:s1+$0xFFFFFFD0] =	vst v2  }
0x11: {  	s28 =	sadd.s32 $0x30, s23;
	v1 =	vor.u32 s26, v0;
	[tilespmem:s1+$0x10] =	vst v3  }
0x12: {  	s29 =	sadd.s32 $0x40, s23;
	v2 =	vor.u32 s28, v0;
	[tilespmem:s1+$0xFFFFFFE0] =	vst v1  }
0x13: {  	s2 =	sadd.s32 s2, s21;
	s31 =	sadd.s32 $0x60, s23;
	v1 =	vor.u32 s29, v0;
	[tilespmem:s1+$0xFFFFFFF0] =	vst v2  }
0x14: {  	s4 =	simm.s32 $0x100;
	[dreg:$0x6] =	wrdreg s2;
	s2 =	sadd.s32 $0x80, s0;
	v2 =	vor.u32 s31, v0;
	[tilespmem:s1+$0x0] =	vst v1;
	v1 =	vor.u32 s23, v0  }
.LBB2_1:
0x15: {  	p1 =	sne.s32 s4, $0x380;
	v3 =	vor.u32 s2, v0;
	s5 =	sadd.s32 $0x10, s2;
	s6 =	sadd.s32 $0x70, s2;
	[tilespmem:s1+$0x20] =	vst v2  }
0x16: {  	s7 =	sadd.s32 $0x30, s2;
	v2 =	vor.u32 s5, v0;
	s5 =	sadd.s32 $0x20, s2;
	v4 =	vor.u32 s6, v0;
	[tilespmem:s1+$0xFFFFFFC0] =	vst v1;
	s1 =	sadd.s32 $0x80, s1;
	v1 =	vmov v3  }
0x17: {  	v5 =	vor.u32 s7, v0;
	s6 =	sadd.s32 $0x50, s2;
	v3 =	vor.u32 s5, v0;
	s5 =	sadd.s32 $0x40, s2;
	s2 =	sadd.s32 $0x60, s2;
	[tilespmem:s1+$0x30] =	vst v4  }
.Ltmp0:
0x18: {  	v6 =	vor.u32 s6, v0;
	[tilespmem:s1+$0xFFFFFFD0] =	vst v2;
	v4 =	vor.u32 s5, v0;
	v2 =	vor.u32 s2, v0;
	(pc) =	sbr.rel @p1 .LBB2_1-.Ltmp0, $4  }
0x19: {  	[tilespmem:s1+$0xFFFFFFE0] =	vst v3  }
0x1a: {  	[tilespmem:s1+$0xFFFFFFF0] =	vst v5  }
0x1b: {  	[tilespmem:s1+$0x0] =	vst v4  }
0x1c: {  	s2 =	sadd.s32 s4, s0;
	s4 =	sadd.s32 $0x80, s4;
	[tilespmem:s1+$0x10] =	vst v6  }
0x1d: {  	[tilespmem:s1+$0x20] =	vst v2  }
0x1e: {  	s0 =	sadd.s32 $0x70, s2;
	[tilespmem:s1+$0xFFFFFFC0] =	vst v1;
	s14 =	sadd.s32 $0x80, s1;
	v63 =	vor.u32 s2, v0  }
0x1f: {  	s4 =	sadd.s32 $0x10, s2;
	v56 =	vor.u32 s0, v0;
	[tilespmem:s14+$0xFFFFFFC0] =	vst v63  }
0x20: {  	s15 =	sadd.s32 $0x20, s2;
	v57 =	vor.u32 s4, v0;
	[tilespmem:s14+$0x30] =	vst v56  }
0x21: {  	s16 =	sadd.s32 $0x30, s2;
	v58 =	vor.u32 s15, v0;
	[tilespmem:s14+$0xFFFFFFD0] =	vst v57  }
0x22: {  	s17 =	sadd.s32 $0x40, s2;
	v59 =	vor.u32 s16, v0;
	[tilespmem:s14+$0xFFFFFFE0] =	vst v58  }
0x23: {  	s18 =	sadd.s32 $0x50, s2;
	v60 =	vor.u32 s17, v0;
	[tilespmem:s14+$0xFFFFFFF0] =	vst v59  }
0x24: {  	s19 =	sadd.s32 $0x60, s2;
	v61 =	vor.u32 s18, v0;
	[tilespmem:s14+$0x0] =	vst v60  }
0x25: {  	v62 =	vor.u32 s19, v0;
	[tilespmem:s14+$0x10] =	vst v61  }
0x26: {  	s20 =	simm.s32 $0x0;
	s21 =	simm.s32 $0x400;
	s4 =	simm.s32 $0x80;
	[tilespmem:s14+$0x20] =	vst v62  }
0x27: {  	[spmem:s3] =	stream.indirect.scatter [tilespmem:s21], [sflag:$0x2], $0x1, s20, s4, $0xb8;
	[tilespmem:$0x11028] =	vst v63  }
0x28: {  	s22 =	simm.s32 $0x480  }
0x29: {  	[spmem:s3] =	stream.indirect.scatter [tilespmem:s22], [sflag:$0x2], $0x1, s4, s4, $0xb8;
	[tilespmem:$0x11028] =	vst v63  }
0x2a: {  	s23 =	simm.s32 $0x100;
	s24 =	simm.s32 $0x500  }
0x2b: {  	[spmem:s3] =	stream.indirect.scatter [tilespmem:s24], [sflag:$0x2], $0x1, s23, s4, $0xb8;
	[tilespmem:$0x11028] =	vst v63  }
0x2c: {  	s25 =	simm.s32 $0x180;
	s26 =	simm.s32 $0x580  }
0x2d: {  	[spmem:s3] =	stream.indirect.scatter [tilespmem:s26], [sflag:$0x2], $0x1, s25, s4, $0xb8;
	[tilespmem:$0x11028] =	vst v63  }
0x2e: {  	s12 =	simm.s32 $0x200;
	s13 =	simm.s32 $0x600  }
0x2f: {  	[spmem:s3] =	stream.indirect.scatter [tilespmem:s13], [sflag:$0x2], $0x1, s12, s4, $0xb8;
	[tilespmem:$0x11028] =	vst v63  }
0x30: {  	s15 =	simm.s32 $0x680;
	s14 =	simm.s32 $0x280  }
0x31: {  	[spmem:s3] =	stream.indirect.scatter [tilespmem:s15], [sflag:$0x2], $0x1, s14, s4, $0xb8;
	[tilespmem:$0x11028] =	vst v63  }
0x32: {  	s16 =	simm.s32 $0x300;
	s17 =	simm.s32 $0x700  }
0x33: {  	[spmem:s3] =	stream.indirect.scatter [tilespmem:s17], [sflag:$0x2], $0x1, s16, s4, $0xb8;
	[tilespmem:$0x11028] =	vst v63  }
0x34: {  	s18 =	simm.s32 $0x380;
	s19 =	simm.s32 $0x780;
	s20 =	simm.s32 $0x2  }
0x35: {  	[spmem:s3] =	stream.indirect.scatter [tilespmem:s19], [sflag:$0x2], $0x1, s18, s4, $0xb8;
	[tilespmem:$0x11028] =	vst v63  }
0x36: {  	_ =	swait.ge [sflag:s20], $0x80  }
0x37: {  	[sflag:s20] =	ssyncset.done $0x0  }
0x38: {  	[sflag:s20] =	ssyncadd.s32 $0xFFFFFF80  }
0x39: {  	_ =	swait.ge [sflag:s20], $0x80  }
0x3a: {  	[sflag:s20] =	ssyncset.done $0x0  }
0x3b: {  	[sflag:s20] =	ssyncadd.s32 $0xFFFFFF80  }
0x3c: {  	_ =	swait.ge [sflag:s20], $0x80  }
0x3d: {  	[sflag:s20] =	ssyncset.done $0x0  }
0x3e: {  	[sflag:s20] =	ssyncadd.s32 $0xFFFFFF80  }
0x3f: {  	_ =	swait.ge [sflag:s20], $0x80  }
0x40: {  	[sflag:s20] =	ssyncset.done $0x0  }
0x41: {  	[sflag:s20] =	ssyncadd.s32 $0xFFFFFF80  }
0x42: {  	_ =	swait.ge [sflag:s20], $0x80  }
0x43: {  	[sflag:s20] =	ssyncset.done $0x0  }
0x44: {  	[sflag:s20] =	ssyncadd.s32 $0xFFFFFF80  }
0x45: {  	_ =	swait.ge [sflag:s20], $0x80  }
0x46: {  	s28 =	simm.s32 $0xF00;
	[sflag:s20] =	ssyncset.done $0x0  }
0x47: {  	s29 =	simm.s32 $0xF80;
	s30 =	simm.s32 $0x800;
	[sflag:s20] =	ssyncadd.s32 $0xFFFFFF80  }
0x48: {  	s31 =	simm.s32 $0x880;
	s2 =	simm.s32 $0x980;
	_ =	swait.ge [sflag:s20], $0x80  }
0x49: {  	s1 =	simm.s32 $0xA00;
	s5 =	simm.s32 $0xA80;
	[sflag:s20] =	ssyncset.done $0x0  }
0x4a: {  	s6 =	simm.s32 $0xB00;
	s7 =	simm.s32 $0xB80;
	[sflag:s20] =	ssyncadd.s32 $0xFFFFFF80  }
0x4b: {  	s8 =	simm.s32 $0x0;
	s0 =	simm.s32 $0x900;
	_ =	swait.ge [sflag:s20], $0x80  }
0x4c: {  	s21 =	simm.s32 $0xC00;
	s22 =	simm.s32 $0xC80;
	[sflag:s20] =	ssyncset.done $0x0  }
0x4d: {  	s23 =	simm.s32 $0xD00;
	s24 =	simm.s32 $0xD80;
	[sflag:s20] =	ssyncadd.s32 $0xFFFFFF80  }
0x4e: {  	s25 =	simm.s32 $0xE00;
	s26 =	simm.s32 $0xE80;
	[bflag:$0x0] =	sbarrier.arrive $0xFFFF  }
.LBB2_3:
0x4f: {  	s9 =	simm.s32 $0x0  }
0x50: {  	[tilespmem:s21], [sflag:$0x2] =	stream.indirect.gather [spmem:s3], $0x1, s9, s4, $0xb8;
	[tilespmem:$0x11028] =	vst v63  }
0x51: {  	_ = 	snop  }
0x52: {  	[tilespmem:s22], [sflag:$0x2] =	stream.indirect.gather [spmem:s3], $0x1, s4, s4, $0xb8;
	[tilespmem:$0x11028] =	vst v63  }
0x53: {  	s10 =	simm.s32 $0x100  }
0x54: {  	[tilespmem:s23], [sflag:$0x2] =	stream.indirect.gather [spmem:s3], $0x1, s10, s4, $0xb8;
	[tilespmem:$0x11028] =	vst v63  }
0x55: {  	s11 =	simm.s32 $0x180  }
0x56: {  	[tilespmem:s24], [sflag:$0x2] =	stream.indirect.gather [spmem:s3], $0x1, s11, s4, $0xb8;
	[tilespmem:$0x11028] =	vst v63  }
0x57: {  	_ = 	snop  }
0x58: {  	[tilespmem:s25], [sflag:$0x2] =	stream.indirect.gather [spmem:s3], $0x1, s12, s4, $0xb8;
	[tilespmem:$0x11028] =	vst v63  }
0x59: {  	_ = 	snop  }
0x5a: {  	[tilespmem:s26], [sflag:$0x2] =	stream.indirect.gather [spmem:s3], $0x1, s14, s4, $0xb8;
	[tilespmem:$0x11028] =	vst v63  }
0x5b: {  	_ = 	snop  }
0x5c: {  	[tilespmem:s28], [sflag:$0x2] =	stream.indirect.gather [spmem:s3], $0x1, s16, s4, $0xb8;
	[tilespmem:$0x11028] =	vst v63  }
0x5d: {  	_ = 	snop  }
0x5e: {  	[tilespmem:s29], [sflag:$0x2] =	stream.indirect.gather [spmem:s3], $0x1, s18, s4, $0xb8;
	[tilespmem:$0x11028] =	vst v63  }
0x5f: {  	_ =	swait.ge [sflag:s20], $0x80  }
0x60: {  	[sflag:s20] =	ssyncset.done $0x0  }
0x61: {  	[sflag:s20] =	ssyncadd.s32 $0xFFFFFF80  }
0x62: {  	_ =	swait.ge [sflag:s20], $0x80  }
0x63: {  	[sflag:s20] =	ssyncset.done $0x0  }
0x64: {  	[sflag:s20] =	ssyncadd.s32 $0xFFFFFF80  }
0x65: {  	_ =	swait.ge [sflag:s20], $0x80  }
0x66: {  	[sflag:s20] =	ssyncset.done $0x0  }
0x67: {  	[sflag:s20] =	ssyncadd.s32 $0xFFFFFF80  }
0x68: {  	_ =	swait.ge [sflag:s20], $0x80  }
0x69: {  	[sflag:s20] =	ssyncset.done $0x0  }
0x6a: {  	[sflag:s20] =	ssyncadd.s32 $0xFFFFFF80  }
0x6b: {  	_ =	swait.ge [sflag:s20], $0x80  }
0x6c: {  	[sflag:s20] =	ssyncset.done $0x0  }
0x6d: {  	[sflag:s20] =	ssyncadd.s32 $0xFFFFFF80  }
0x6e: {  	_ =	swait.ge [sflag:s20], $0x80  }
0x6f: {  	[sflag:s20] =	ssyncset.done $0x0  }
0x70: {  	[sflag:s20] =	ssyncadd.s32 $0xFFFFFF80  }
0x71: {  	_ =	swait.ge [sflag:s20], $0x80  }
0x72: {  	[sflag:s20] =	ssyncset.done $0x0  }
0x73: {  	[sflag:s20] =	ssyncadd.s32 $0xFFFFFF80  }
0x74: {  	_ =	swait.ge [sflag:s20], $0x80  }
0x75: {  	[sflag:s20] =	ssyncset.done $0x0  }
0x76: {  	s9 =	simm.s32 $0x0;
	[sflag:s20] =	ssyncadd.s32 $0xFFFFFF80  }
0x77: {  	v0 =	vld [tilespmem:s9+$0x470]  }
0x78: {  	v1 =	vld [tilespmem:s9+$0xC70]  }
0x79: {  	v2 =	vld [tilespmem:s9+$0x70]  }
0x7a: {  	v3 =	vld [tilespmem:s9+$0x400]  }
0x7b: {  	v5 =	vld [tilespmem:s9+$0xC00]  }
0x7c: {  	v6 =	vld [tilespmem:s9+$0x410]  }
0x7d: {  	v7 =	vld [tilespmem:s9+$0xC10]  }
0x7e: {  	v8 =	vld [tilespmem:s9+$0xC20]  }
0x7f: {  	v9 =	vld [tilespmem:s9+$0xC30]  }
0x80: {  	v10 =	vld [tilespmem:s9+$0x440]  }
0x81: {  	v11 =	vld [tilespmem:s9+$0xC40]  }
0x82: {  	v12 =	vld [tilespmem:s9+$0x450]  }
0x83: {  	v13 =	vld [tilespmem:s9+$0xC50]  }
0x84: {  	v14 =	vld [tilespmem:s9+$0x460]  }
0x85: {  	v15 =	vld [tilespmem:s9+$0xC60]  }
0x86: {  	v16 =	vld [tilespmem:s9+$0x0];
	vm0 =	vgt.s32 v0, v1;
	v0 =	vadd.s32 $0xF4240, v0  }
0x87: {  	v1 =	vld [tilespmem:s9+$0x420];
	v0 =	vsel vm0, v2, v0  }
0x88: {  	[tilespmem:s9+$0x870] =	vst v0;
	v0 =	vld [tilespmem:s9+$0x430]  }
0x89: {  	v17 =	vld [tilespmem:s9+$0x10]  }
0x8a: {  	v18 =	vld [tilespmem:s9+$0x20];
	vm3 =	vgt.s32 v6, v7;
	v6 =	vadd.s32 $0xF4240, v6  }
0x8b: {  	v4 =	vld [tilespmem:s9+$0x30];
	vm1 =	vgt.s32 v10, v11;
	vm0 =	vgt.s32 v3, v5;
	v3 =	vadd.s32 $0xF4240, v3  }
0x8c: {  	vm2 =	vgt.s32 v12, v13;
	v7 =	vadd.s32 $0xF4240, v14;
	v2 =	vld [tilespmem:s9+$0x40];
	v3 =	vsel vm0, v16, v3  }
0x8d: {  	v5 =	vld [tilespmem:s9+$0x50];
	[tilespmem:s9+$0x800] =	vst v3;
	v3 =	vadd.s32 $0xF4240, v12;
	vm4 =	vgt.s32 v1, v8;
	vm0 =	vgt.s32 v0, v9  }
0x8e: {  	s10 =	simm.s32 $0x80;
	v8 =	vld [tilespmem:s9+$0x60];
	v9 =	vadd.s32 $0xF4240, v1;
	v1 =	vadd.s32 $0xF4240, v10;
	v10 =	vsel vm3, v17, v6  }
0x8f: {  	s11 =	simm.s32 $0x400;
	v0 =	vadd.s32 $0xF4240, v0;
	v6 =	vld [tilespmem:s10+$0x470];
	vm3 =	vgt.s32 v14, v15;
	[tilespmem:s9+$0x810] =	vst v10;
	v9 =	vsel vm4, v18, v9  }
.LBB2_4:
0x90: {  	p1 =	sne.s32 s11, $0xE00;
	v10 =	vld [tilespmem:s10+$0xC70];
	[tilespmem:s9+$0x820] =	vst v9;
	v0 =	vsel vm0, v4, v0  }
0x91: {  	v4 =	vld [tilespmem:s10+$0x70];
	[tilespmem:s9+$0x830] =	vst v0;
	v0 =	vsel vm1, v2, v1  }
0x92: {  	v1 =	vld [tilespmem:s10+$0x400];
	[tilespmem:s9+$0x840] =	vst v0;
	v0 =	vsel vm2, v5, v3  }
0x93: {  	v2 =	vld [tilespmem:s10+$0xC00];
	[tilespmem:s9+$0x850] =	vst v0;
	v0 =	vsel vm3, v8, v7  }
0x94: {  	v3 =	vld [tilespmem:s10+$0x410];
	[tilespmem:s9+$0x860] =	vst v0;
	s9 =	smov.u32 s10  }
0x95: {  	v5 =	vadd.s32 $0xF4240, v6;
	v0 =	vld [tilespmem:s9+$0xC10];
	vm0 =	vgt.s32 v6, v10  }
0x96: {  	v6 =	vld [tilespmem:s9+$0x420];
	v4 =	vsel vm0, v4, v5  }
0x97: {  	v5 =	vadd.s32 $0xF4240, v1;
	v7 =	vld [tilespmem:s9+$0xC20];
	[tilespmem:s9+$0x870] =	vst v4  }
0x98: {  	vm4 =	vgt.s32 v1, v2;
	v1 =	vld [tilespmem:s9+$0x430]  }
0x99: {  	v8 =	vadd.s32 $0xF4240, v3;
	v2 =	vld [tilespmem:s9+$0xC30]  }
0x9a: {  	vm5 =	vgt.s32 v3, v0;
	v3 =	vld [tilespmem:s9+$0x440]  }
0x9b: {  	v9 =	vadd.s32 $0xF4240, v6;
	v4 =	vld [tilespmem:s9+$0xC40]  }
0x9c: {  	vm6 =	vgt.s32 v6, v7;
	v6 =	vld [tilespmem:s9+$0x450]  }
0x9d: {  	v0 =	vadd.s32 $0xF4240, v1;
	v7 =	vld [tilespmem:s9+$0xC50]  }
0x9e: {  	vm0 =	vgt.s32 v1, v2;
	v10 =	vld [tilespmem:s9+$0x460]  }
0x9f: {  	v1 =	vadd.s32 $0xF4240, v3;
	v11 =	vld [tilespmem:s9+$0xC60]  }
0xa0: {  	v12 =	vld [tilespmem:s9+$0x0];
	vm1 =	vgt.s32 v3, v4  }
0xa1: {  	v13 =	vld [tilespmem:s9+$0x10];
	v3 =	vadd.s32 $0xF4240, v6  }
0xa2: {  	v14 =	vld [tilespmem:s9+$0x20];
	vm2 =	vgt.s32 v6, v7  }
.Ltmp1:
0xa3: {  	v4 =	vld [tilespmem:s9+$0x30];
	v7 =	vadd.s32 $0xF4240, v10;
	(pc) =	sbr.rel @p1 .LBB2_4-.Ltmp1, $4  }
0xa4: {  	v2 =	vld [tilespmem:s9+$0x40];
	vm3 =	vgt.s32 v10, v11  }
0xa5: {  	v6 =	vsel vm4, v12, v5;
	v5 =	vld [tilespmem:s9+$0x50]  }
0xa6: {  	s10 =	sshra.s32 s11, $0x2;
	[tilespmem:s9+$0x800] =	vst v6;
	v10 =	vsel vm5, v13, v8;
	v8 =	vld [tilespmem:s9+$0x60]  }
0xa7: {  	s11 =	sadd.s32 $0x200, s11;
	v6 =	vld [tilespmem:s10+$0x470];
	[tilespmem:s9+$0x810] =	vst v10;
	v9 =	vsel vm6, v14, v9  }
0xa8: {  	v10 =	vld [tilespmem:s10+$0xC70];
	[tilespmem:s9+$0x820] =	vst v9;
	v0 =	vsel vm0, v4, v0  }
0xa9: {  	v37 =	vld [tilespmem:s10+$0x70];
	[tilespmem:s9+$0x830] =	vst v0;
	v38 =	vsel vm1, v2, v1  }
0xaa: {  	v39 =	vld [tilespmem:s10+$0x400];
	[tilespmem:s9+$0x840] =	vst v38;
	v40 =	vsel vm2, v5, v3  }
0xab: {  	v41 =	vld [tilespmem:s10+$0xC00];
	[tilespmem:s9+$0x850] =	vst v40;
	v42 =	vsel vm3, v8, v7  }
0xac: {  	v43 =	vld [tilespmem:s10+$0x410];
	[tilespmem:s9+$0x860] =	vst v42  }
0xad: {  	v0 =	vld [tilespmem:s10+$0xC10]  }
0xae: {  	v45 =	vld [tilespmem:s10+$0x420]  }
0xaf: {  	v46 =	vld [tilespmem:s10+$0xC20]  }
0xb0: {  	v47 =	vld [tilespmem:s10+$0x430]  }
0xb1: {  	v48 =	vld [tilespmem:s10+$0xC30]  }
0xb2: {  	v49 =	vld [tilespmem:s10+$0x440]  }
0xb3: {  	v9 =	vld [tilespmem:s10+$0xC40]  }
0xb4: {  	v50 =	vld [tilespmem:s10+$0x450]  }
0xb5: {  	v11 =	vld [tilespmem:s10+$0xC50]  }
0xb6: {  	v12 =	vld [tilespmem:s10+$0x460]  }
0xb7: {  	v13 =	vld [tilespmem:s10+$0xC60]  }
0xb8: {  	v14 =	vld [tilespmem:s10+$0x0]  }
0xb9: {  	v15 =	vld [tilespmem:s10+$0x10]  }
0xba: {  	v16 =	vld [tilespmem:s10+$0x20]  }
0xbb: {  	v44 =	vadd.s32 $0xF4240, v6;
	vm8 =	vgt.s32 v6, v10;
	v17 =	vld [tilespmem:s10+$0x30]  }
0xbc: {  	v51 =	vld [tilespmem:s10+$0x40];
	v4 =	vsel vm8, v37, v44;
	v1 =	vadd.s32 $0xF4240, v39;
	vm9 =	vgt.s32 v39, v41  }
0xbd: {  	v52 =	vld [tilespmem:s10+$0x50];
	[tilespmem:s10+$0x870] =	vst v4;
	v53 =	vadd.s32 $0xF4240, v43;
	v1 =	vsel vm9, v14, v1;
	vm10 =	vgt.s32 v43, v0  }
0xbe: {  	v55 =	vld [tilespmem:s10+$0x60];
	vm11 =	vgt.s32 v45, v46;
	v54 =	vadd.s32 $0xF4240, v45;
	[tilespmem:s10+$0x800] =	vst v1;
	v0 =	vsel vm10, v15, v53  }
0xbf: {  	vm12 =	vgt.s32 v47, v48;
	v4 =	vadd.s32 $0xF4240, v47;
	v56 =	vsel vm11, v16, v54;
	[tilespmem:s10+$0x810] =	vst v0  }
0xc0: {  	v57 =	vadd.s32 $0xF4240, v49;
	vm13 =	vgt.s32 v49, v9;
	v58 =	vsel vm12, v17, v4;
	[tilespmem:s10+$0x820] =	vst v56  }
0xc1: {  	v59 =	vadd.s32 $0xF4240, v50;
	vm14 =	vgt.s32 v50, v11;
	v60 =	vsel vm13, v51, v57;
	[tilespmem:s10+$0x830] =	vst v58  }
0xc2: {  	v61 =	vadd.s32 $0xF4240, v12;
	vm15 =	vgt.s32 v12, v13;
	v62 =	vsel vm14, v52, v59;
	[tilespmem:s10+$0x840] =	vst v60  }
0xc3: {  	v63 =	vsel vm15, v55, v61;
	[tilespmem:s10+$0x850] =	vst v62  }
0xc4: {  	[tilespmem:s10+$0x860] =	vst v63;
	s10 =	simm.s32 $0x400  }
0xc5: {  	[spmem:s3] =	stream.indirect.scatter [tilespmem:s10], [sflag:$0x2], $0x1, s30, s4, $0xb8;
	[tilespmem:$0x11028] =	vst v63  }
0xc6: {  	s11 =	simm.s32 $0x480  }
0xc7: {  	[spmem:s3] =	stream.indirect.scatter [tilespmem:s11], [sflag:$0x2], $0x1, s31, s4, $0xb8;
	[tilespmem:$0x11028] =	vst v63  }
0xc8: {  	s10 =	simm.s32 $0x500  }
0xc9: {  	[spmem:s3] =	stream.indirect.scatter [tilespmem:s10], [sflag:$0x2], $0x1, s0, s4, $0xb8;
	[tilespmem:$0x11028] =	vst v63  }
0xca: {  	s11 =	simm.s32 $0x580  }
0xcb: {  	[spmem:s3] =	stream.indirect.scatter [tilespmem:s11], [sflag:$0x2], $0x1, s2, s4, $0xb8;
	[tilespmem:$0x11028] =	vst v63  }
0xcc: {  	_ = 	snop  }
0xcd: {  	[spmem:s3] =	stream.indirect.scatter [tilespmem:s13], [sflag:$0x2], $0x1, s1, s4, $0xb8;
	[tilespmem:$0x11028] =	vst v63  }
0xce: {  	_ = 	snop  }
0xcf: {  	[spmem:s3] =	stream.indirect.scatter [tilespmem:s15], [sflag:$0x2], $0x1, s5, s4, $0xb8;
	[tilespmem:$0x11028] =	vst v63  }
0xd0: {  	_ = 	snop  }
0xd1: {  	[spmem:s3] =	stream.indirect.scatter [tilespmem:s17], [sflag:$0x2], $0x1, s6, s4, $0xb8;
	[tilespmem:$0x11028] =	vst v63  }
0xd2: {  	_ = 	snop  }
0xd3: {  	[spmem:s3] =	stream.indirect.scatter [tilespmem:s19], [sflag:$0x2], $0x1, s7, s4, $0xb8;
	[tilespmem:$0x11028] =	vst v63  }
0xd4: {  	_ =	swait.ge [sflag:s20], $0x80  }
0xd5: {  	[sflag:s20] =	ssyncset.done $0x0  }
0xd6: {  	[sflag:s20] =	ssyncadd.s32 $0xFFFFFF80  }
0xd7: {  	_ =	swait.ge [sflag:s20], $0x80  }
0xd8: {  	[sflag:s20] =	ssyncset.done $0x0  }
0xd9: {  	[sflag:s20] =	ssyncadd.s32 $0xFFFFFF80  }
0xda: {  	_ =	swait.ge [sflag:s20], $0x80  }
0xdb: {  	[sflag:s20] =	ssyncset.done $0x0  }
0xdc: {  	[sflag:s20] =	ssyncadd.s32 $0xFFFFFF80  }
0xdd: {  	_ =	swait.ge [sflag:s20], $0x80  }
0xde: {  	[sflag:s20] =	ssyncset.done $0x0  }
0xdf: {  	[sflag:s20] =	ssyncadd.s32 $0xFFFFFF80  }
0xe0: {  	_ =	swait.ge [sflag:s20], $0x80  }
0xe1: {  	[sflag:s20] =	ssyncset.done $0x0  }
0xe2: {  	[sflag:s20] =	ssyncadd.s32 $0xFFFFFF80  }
0xe3: {  	_ =	swait.ge [sflag:s20], $0x80  }
0xe4: {  	[sflag:s20] =	ssyncset.done $0x0  }
0xe5: {  	[sflag:s20] =	ssyncadd.s32 $0xFFFFFF80  }
0xe6: {  	_ =	swait.ge [sflag:s20], $0x80  }
0xe7: {  	s8 =	sadd.s32 $0x1, s8;
	[sflag:s20] =	ssyncset.done $0x0  }
0xe8: {  	p1 =	sne.s32 s8, $0x4;
	[sflag:s20] =	ssyncadd.s32 $0xFFFFFF80  }
.Ltmp2:
0xe9: {  	_ =	swait.ge [sflag:s20], $0x80;
	(pc) =	sbr.rel @p1 .LBB2_3-.Ltmp2, $3  }
0xea: {  	[sflag:s20] =	ssyncset.done $0x0  }
0xeb: {  	[sflag:s20] =	ssyncadd.s32 $0xFFFFFF80  }
0xec: {  	[bflag:$0x0] =	sbarrier.arrive $0xFFFF;
	_ =	sdelay $0x1  }
0xed: {  	s0 =	simm.s32 @!p0 $0x1  }
0xee: {  	_ =	swait.ge @!p0 [sflag:s0], $0x800  }
0xef: {  	[sflag:s0] =	ssyncset.done @!p0 $0x0  }
0xf0: {  	s1 =	simm.s32 $0x80;
	[sflag:s0] =	ssyncadd.s32 @!p0 $0xFFFFF800  }
0xf1: {  	s14 =	simm.s32 $0x0;
	s4 =	simm.s32 $0xC00;
	[bflag:$0x0] =	sbarrier.arrive $0xFFFF  }
0xf2: {  	[tilespmem:s4], [sflag:$0x2] =	stream.indirect.gather [spmem:s3], $0x1, s14, s1, $0xb8;
	[tilespmem:$0x11028] =	vst v63  }
0xf3: {  	s5 =	simm.s32 $0xC80  }
0xf4: {  	[tilespmem:s5], [sflag:$0x2] =	stream.indirect.gather [spmem:s3], $0x1, s1, s1, $0xb8;
	[tilespmem:$0x11028] =	vst v63  }
0xf5: {  	s2 =	simm.s32 $0x100;
	s6 =	simm.s32 $0xD00  }
0xf6: {  	[tilespmem:s6], [sflag:$0x2] =	stream.indirect.gather [spmem:s3], $0x1, s2, s1, $0xb8;
	[tilespmem:$0x11028] =	vst v63  }
0xf7: {  	s15 =	simm.s32 $0x180;
	s7 =	simm.s32 $0xD80  }
0xf8: {  	[tilespmem:s7], [sflag:$0x2] =	stream.indirect.gather [spmem:s3], $0x1, s15, s1, $0xb8;
	[tilespmem:$0x11028] =	vst v63  }
0xf9: {  	s16 =	simm.s32 $0x200;
	s8 =	simm.s32 $0xE00  }
0xfa: {  	[tilespmem:s8], [sflag:$0x2] =	stream.indirect.gather [spmem:s3], $0x1, s16, s1, $0xb8;
	[tilespmem:$0x11028] =	vst v63  }
0xfb: {  	s17 =	simm.s32 $0x280;
	s9 =	simm.s32 $0xE80  }
0xfc: {  	[tilespmem:s9], [sflag:$0x2] =	stream.indirect.gather [spmem:s3], $0x1, s17, s1, $0xb8;
	[tilespmem:$0x11028] =	vst v63  }
0xfd: {  	s18 =	simm.s32 $0x300;
	s10 =	simm.s32 $0xF00  }
0xfe: {  	[tilespmem:s10], [sflag:$0x2] =	stream.indirect.gather [spmem:s3], $0x1, s18, s1, $0xb8;
	[tilespmem:$0x11028] =	vst v63  }
0xff: {  	s19 =	simm.s32 $0x380;
	s11 =	simm.s32 $0xF80;
	s20 =	simm.s32 $0x2  }
0x100: {  	[tilespmem:s11], [sflag:$0x2] =	stream.indirect.gather [spmem:s3], $0x1, s19, s1, $0xb8;
	[tilespmem:$0x11028] =	vst v63  }
0x101: {  	_ =	swait.ge [sflag:s20], $0x80  }
0x102: {  	[sflag:s20] =	ssyncset.done $0x0  }
0x103: {  	[sflag:s20] =	ssyncadd.s32 $0xFFFFFF80  }
0x104: {  	_ =	swait.ge [sflag:s20], $0x80  }
0x105: {  	[sflag:s20] =	ssyncset.done $0x0  }
0x106: {  	[sflag:s20] =	ssyncadd.s32 $0xFFFFFF80  }
0x107: {  	_ =	swait.ge [sflag:s20], $0x80  }
0x108: {  	[sflag:s20] =	ssyncset.done $0x0  }
0x109: {  	[sflag:s20] =	ssyncadd.s32 $0xFFFFFF80  }
0x10a: {  	_ =	swait.ge [sflag:s20], $0x80  }
0x10b: {  	[sflag:s20] =	ssyncset.done $0x0  }
0x10c: {  	[sflag:s20] =	ssyncadd.s32 $0xFFFFFF80  }
0x10d: {  	_ =	swait.ge [sflag:s20], $0x80  }
0x10e: {  	[sflag:s20] =	ssyncset.done $0x0  }
0x10f: {  	[sflag:s20] =	ssyncadd.s32 $0xFFFFFF80  }
0x110: {  	_ =	swait.ge [sflag:s20], $0x80  }
0x111: {  	[sflag:s20] =	ssyncset.done $0x0  }
0x112: {  	[sflag:s20] =	ssyncadd.s32 $0xFFFFFF80  }
0x113: {  	_ =	swait.ge [sflag:s20], $0x80  }
0x114: {  	[sflag:s20] =	ssyncset.done $0x0  }
0x115: {  	[sflag:s20] =	ssyncadd.s32 $0xFFFFFF80  }
0x116: {  	_ =	swait.ge [sflag:s20], $0x80  }
0x117: {  	[sflag:s20] =	ssyncset.done $0x0  }
0x118: {  	[sflag:s20] =	ssyncadd.s32 $0xFFFFFF80  }
0x119: {  	s21 =	simm.s32 $0x1000;
	s12 =	rddreg [dreg:$0x3]  }
0x11a: {  	[tilespmem:s21], [sflag:$0x2] =	stream.indirect.gather [spmem:s12], $0x1, s4, s1, $0xb8;
	[tilespmem:$0x11028] =	vst v63  }
0x11b: {  	s22 =	simm.s32 $0x1080  }
0x11c: {  	[tilespmem:s22], [sflag:$0x2] =	stream.indirect.gather [spmem:s12], $0x1, s5, s1, $0xb8;
	[tilespmem:$0x11028] =	vst v63  }
0x11d: {  	s23 =	simm.s32 $0x1100  }
0x11e: {  	[tilespmem:s23], [sflag:$0x2] =	stream.indirect.gather [spmem:s12], $0x1, s6, s1, $0xb8;
	[tilespmem:$0x11028] =	vst v63  }
0x11f: {  	s24 =	simm.s32 $0x1180  }
0x120: {  	[tilespmem:s24], [sflag:$0x2] =	stream.indirect.gather [spmem:s12], $0x1, s7, s1, $0xb8;
	[tilespmem:$0x11028] =	vst v63  }
0x121: {  	s25 =	simm.s32 $0x1200  }
0x122: {  	[tilespmem:s25], [sflag:$0x2] =	stream.indirect.gather [spmem:s12], $0x1, s8, s1, $0xb8;
	[tilespmem:$0x11028] =	vst v63  }
0x123: {  	s26 =	simm.s32 $0x1280  }
0x124: {  	[tilespmem:s26], [sflag:$0x2] =	stream.indirect.gather [spmem:s12], $0x1, s9, s1, $0xb8;
	[tilespmem:$0x11028] =	vst v63  }
0x125: {  	s28 =	simm.s32 $0x1300  }
0x126: {  	[tilespmem:s28], [sflag:$0x2] =	stream.indirect.gather [spmem:s12], $0x1, s10, s1, $0xb8;
	[tilespmem:$0x11028] =	vst v63  }
0x127: {  	s29 =	simm.s32 $0x1380  }
0x128: {  	[tilespmem:s29], [sflag:$0x2] =	stream.indirect.gather [spmem:s12], $0x1, s11, s1, $0xb8;
	[tilespmem:$0x11028] =	vst v63  }
0x129: {  	_ =	swait.ge [sflag:s20], $0x80  }
0x12a: {  	[sflag:s20] =	ssyncset.done $0x0  }
0x12b: {  	[sflag:s20] =	ssyncadd.s32 $0xFFFFFF80  }
0x12c: {  	_ =	swait.ge [sflag:s20], $0x80  }
0x12d: {  	[sflag:s20] =	ssyncset.done $0x0  }
0x12e: {  	[sflag:s20] =	ssyncadd.s32 $0xFFFFFF80  }
0x12f: {  	_ =	swait.ge [sflag:s20], $0x80  }
0x130: {  	[sflag:s20] =	ssyncset.done $0x0  }
0x131: {  	[sflag:s20] =	ssyncadd.s32 $0xFFFFFF80  }
0x132: {  	_ =	swait.ge [sflag:s20], $0x80  }
0x133: {  	[sflag:s20] =	ssyncset.done $0x0  }
0x134: {  	[sflag:s20] =	ssyncadd.s32 $0xFFFFFF80  }
0x135: {  	_ =	swait.ge [sflag:s20], $0x80  }
0x136: {  	[sflag:s20] =	ssyncset.done $0x0  }
0x137: {  	[sflag:s20] =	ssyncadd.s32 $0xFFFFFF80  }
0x138: {  	_ =	swait.ge [sflag:s20], $0x80  }
0x139: {  	[sflag:s20] =	ssyncset.done $0x0  }
0x13a: {  	[sflag:s20] =	ssyncadd.s32 $0xFFFFFF80  }
0x13b: {  	_ =	swait.ge [sflag:s20], $0x80  }
0x13c: {  	[sflag:s20] =	ssyncset.done $0x0  }
0x13d: {  	[sflag:s20] =	ssyncadd.s32 $0xFFFFFF80  }
0x13e: {  	_ =	swait.ge [sflag:s20], $0x80  }
0x13f: {  	[sflag:s20] =	ssyncset.done $0x0  }
0x140: {  	s31 =	simm.s32 $0x3;
	s30 =	rddreg [dreg:$0x6];
	[sflag:s20] =	ssyncadd.s32 $0xFFFFFF80  }
0x141: {  	[hbm4b:s30+s14] =	stream.linear.scatter [tilespmem:s21], [sflag:$0x3], $0x400, $0x38;
	[tilespmem:$0x11028] =	vst v63  }
0x142: {  	_ =	swait.ge [sflag:s31], $0x400  }
0x143: {  	[sflag:s31] =	ssyncset.done $0x0  }
0x144: {  	[sflag:s31] =	ssyncadd.s32 $0xFFFFFC00  }
0x145: {  	_ =	sfence.sel $0x180000  }
0x146: {  	[bflag:$0x0] =	sbarrier.arrive $0xFFFF  }
0x147: {  	_ =	strace $0x90000047  }
0x148: {  	[bflag:$0x2] =	sbarrier.arrive $0xFFFF  }
0x149: {  	s0 =	rddreg [dreg:$0x5]  }
0x14a: {  	s0 =	sadd.s32 @!p0 $0x100000, s0  }
0x14b: {  	[sflag:s0] =	ssyncadd.tile.s32 @!p0 $0x1;
	_ =	shalt  }
.Lfunc_end2:
_tile_overlayer_lowered:
.L_overlay_start_2:
0x14c: {  	(tag) =	ssettag $0x2  }
0x14d: {  	s0 =	rddreg [dreg:$0x0];
	s2 =	stileid.u32  }
0x14e: {  	s1 =	rddreg [dreg:$0x1];
	p0 =	sne.s32 s2, $0x0  }
0x14f: {  	s3 =	rddreg [dreg:$0x2];
	[bflag:$0x3] =	sbarrier.arrive $0xFFFF;
	s2 =	simm.s32 @!p0 $0x1C03  }
0x150: {  	[timem:s3], [sflag:s2] =	dma.local @!p0 [hbm:s0], s1  }
0x151: {  	s0 =	simm.s32 @!p0 $0x3  }
0x152: {  	_ =	swait.ge @!p0 [sflag:s0], s1  }
0x153: {  	s1 =	ssub.s32 @!p0 $0x0, s1;
	[sflag:s0] =	ssyncset.done @!p0 $0x0  }
0x154: {  	[sflag:s0] =	ssyncadd.s32 @!p0 s1  }
0x155: {  	[bflag:$0x3] =	sbarrier.arrive $0xFFFF  }
0x156: {  	_ =	shalt  }

</sc_bundles>
